<compile_context>
chip_gen: v7x
topology: tpu7x:2x2x1
jax: 0.10.2.dev20260603
libtpu: 0.0.44.dev20260713+nightly
codegen_flags: <defaults>
</compile_context>

<pallas_src>
import functools

import jax
import jax.numpy as jnp
from jax import lax
from jax.experimental import pallas as pl
from jax.experimental.pallas import tpu as pltpu
from jax.experimental.pallas import tpu_sc as plsc

SUPPORT_RANGE = 300
EPS = 0.001
NUM_BINS = 2 * SUPPORT_RANGE + 1

N_ROWS = 16384
BLOCK_ROWS = 4096

NUM_CORES = 2
NUM_SUBCORES = 16
NUM_WORKERS = NUM_CORES * NUM_SUBCORES
ROWS_PER_WORKER = N_ROWS // NUM_WORKERS
CHUNK = 128
N_CHUNKS = ROWS_PER_WORKER // CHUNK
GROUPS = CHUNK // 16
FULL16 = NUM_BINS // 16


def _row_scalar_block(logits_ref, y_ref):
    logits = logits_ref[...]
    rows = logits.shape[0]

    bins = jax.lax.broadcasted_iota(jnp.int32, (rows, NUM_BINS), 1)
    support = bins.astype(jnp.float32) - float(SUPPORT_RANGE)

    m = jnp.max(logits, axis=-1, keepdims=True)
    e = jnp.exp(logits - m)
    x = jnp.sum(e * support, axis=-1, keepdims=True) / jnp.sum(
        e, axis=-1, keepdims=True
    )

    scalar = jnp.sign(x) * (
        ((jnp.sqrt(1.0 + 4.0 * EPS * (jnp.abs(x) + 1.0 + EPS)) - 1.0) / (2.0 * EPS))
        ** 2
        - 1.0
    )
    y = jnp.sign(scalar) * (jnp.sqrt(jnp.abs(scalar) + 1.0) - 1.0) + EPS * scalar
    y = jnp.clip(y, -float(SUPPORT_RANGE), float(SUPPORT_RANGE))
    y_ref[...] = y.reshape(rows // 128, 128)


def _zero_fill(out_v):
    zeros = jnp.zeros((16,), jnp.float32)

    def zero_row(r, carry):
        for u in range(FULL16):
            out_v[r, pl.ds(u * 16, 16)] = zeros
        out_v[r, pl.ds(NUM_BINS - 16, 16)] = zeros
        return carry

    lax.fori_loop(0, CHUNK, zero_row, 0)


def _sc_scatter_body(y_hbm, out_hbm, y_v, out_v):
    wid = lax.axis_index("s") * NUM_CORES + lax.axis_index("c")
    row_base = wid * ROWS_PER_WORKER

    lane = lax.iota(jnp.int32, 16)
    zeros = jnp.zeros((16,), jnp.float32)

    _zero_fill(out_v)

    def chunk_body(ci, carry):
        yrow = (row_base + ci * CHUNK) // 128
        pltpu.sync_copy(y_hbm.at[pl.ds(yrow, 1)], y_v)

        touched = []
        for g in range(GROUPS):
            rid = g * 16 + lane
            y = y_v[0, pl.ds(g * 16, 16)]
            t = y + float(SUPPORT_RANGE)
            ti = jnp.clip(t.astype(jnp.int32), 0, NUM_BINS - 1)
            frac = t - ti.astype(jnp.float32)
            ihigh = jnp.minimum(ti + 1, NUM_BINS - 1)
            plsc.store_scatter(out_v, [rid, ti], 1.0 - frac)
            plsc.addupdate_scatter(out_v, [rid, ihigh], frac)
            touched.append((rid, ti, ihigh))

        pltpu.sync_copy(out_v, out_hbm.at[pl.ds(row_base + ci * CHUNK, CHUNK)])

        for rid, ti, ihigh in touched:
            plsc.store_scatter(out_v, [rid, ti], zeros)
            plsc.store_scatter(out_v, [rid, ihigh], zeros)
        return carry

    lax.fori_loop(0, N_CHUNKS, chunk_body, 0)


@jax.jit
def kernel(logits):
    y = pl.pallas_call(
        _row_scalar_block,
        grid=(N_ROWS // BLOCK_ROWS,),
        in_specs=[pl.BlockSpec((BLOCK_ROWS, NUM_BINS), lambda i: (i, 0))],
        out_specs=pl.BlockSpec((BLOCK_ROWS // 128, 128), lambda i: (i, 0)),
        out_shape=jax.ShapeDtypeStruct((N_ROWS // 128, 128), jnp.float32),
    )(logits)

    mesh = plsc.VectorSubcoreMesh(core_axis_name="c", subcore_axis_name="s")
    scatter = functools.partial(
        pl.kernel,
        mesh=mesh,
        out_type=jax.ShapeDtypeStruct((N_ROWS, NUM_BINS), jnp.float32),
        scratch_types=[
            pltpu.VMEM((1, CHUNK), jnp.float32),
            pltpu.VMEM((CHUNK, NUM_BINS), jnp.float32),
        ],
        compiler_params=pltpu.CompilerParams(needs_layout_passes=False),
    )(_sc_scatter_body)
    return scatter(y)

# --- scband reference (transcript-rebuilt; emitter-appended) ---
"""Pipeline reference for scband-mu-zero-support-28209345200247 (READ-ONLY COPY).

The authoritative reference and input builder live on the scoring server;
editing this copy changes nothing except your own understanding.
"""

import jax, jax.numpy as jnp
import numpy as np

SUPPORT_RANGE = 300
EPS = 0.001
NUM_BINS = 2 * SUPPORT_RANGE + 1


def support_to_scalar(probs, support_range, eps):
    support = jnp.arange(-support_range, support_range + 1, dtype=probs.dtype)
    x = jnp.sum(probs * support, axis=-1)
    # invertible transform h^{-1}(x)
    return jnp.sign(x) * (
        ((jnp.sqrt(1.0 + 4.0 * eps * (jnp.abs(x) + 1.0 + eps)) - 1.0) / (2.0 * eps)) ** 2
        - 1.0
    )


def scalar_to_support(x, support_range, eps):
    # forward transform h(x)
    x = jnp.sign(x) * (jnp.sqrt(jnp.abs(x) + 1.0) - 1.0) + eps * x
    x = jnp.clip(x, -support_range, support_range)
    floor = jnp.floor(x)
    prob = x - floor
    idx_low = jnp.clip((floor + support_range).astype(jnp.int32), 0, NUM_BINS - 1)
    idx_high = jnp.clip(idx_low + 1, 0, NUM_BINS - 1)
    rows = jnp.arange(x.shape[0])
    target = jnp.zeros((x.shape[0], NUM_BINS), dtype=x.dtype)
    target = target.at[rows, idx_low].add(1.0 - prob)
    target = target.at[rows, idx_high].add(prob)
    return target


def setup_inputs(seed: int = 0) -> dict:
    key = jax.random.key(seed)
    logits = jax.random.normal(key, (16384, NUM_BINS), dtype=jnp.float32)
    return {"logits": logits}


def reference(logits):
    # MuZeroSupport: logits -> probs -> scalar -> two-hot target distribution
    probs = jax.nn.softmax(logits, axis=-1)
    scalar = support_to_scalar(probs, SUPPORT_RANGE, EPS)
    target = scalar_to_support(scalar, SUPPORT_RANGE, EPS)
    return target

if __name__ == "__main__":
    import jax
    _d = setup_inputs()
    print(jax.jit(kernel)(*tuple(_d.values())))

</pallas_src>

<mosaic_0001>
#map = affine_map<(d0, d1) -> (0, 0)>
module attributes {stable_mosaic.version = 14 : i64} {
  func.func @_sc_scatter_body(%arg0: i32, %arg1: i32, %arg2: memref<128x128xf32, #tpu.memory_space<hbm>>, %arg3: memref<16384x601xf32, #tpu.memory_space<hbm>>, %arg4: memref<1x128xf32, #tpu.memory_space<vmem>>, %arg5: memref<128x601xf32, #tpu.memory_space<vmem>>) attributes {dimension_semantics = [#tpu.dimension_semantics<core_parallel>, #tpu.dimension_semantics<subcore_parallel>], iteration_bounds = array<i64: 2, 16>, scalar_prefetch = 0 : i64, scratch_operands = 2 : i64, tpu.core_type = #tpu.core_type<sc_vector_subcore>, window_params = [{transform_indices = #map}, {transform_indices = #map}]} {
    %mul3A = arith.constant 2 : i32
    %mul3A_0 = arith.muli %arg1, %mul3A : i32
    %add3A = arith.addi %mul3A_0, %arg0 : i32
    %mul3A_1 = arith.constant 512 : i32
    %mul3A_2 = arith.muli %add3A, %mul3A_1 : i32
    %iota3A = tpu.iota {dimensions = array<i32: 0>} : vector<16xi32>
    %broadcast_in_dim3A = arith.constant 0.000000e+00 : f32
    %broadcast_in_dim3A_3 = vector.broadcast %broadcast_in_dim3A : f32 to vector<16xf32>
    %broadcast_in_dim3A_4 = arith.constant 0.000000e+00 : f32
    %broadcast_in_dim3A_5 = vector.broadcast %broadcast_in_dim3A_4 : f32 to vector<16xf32>
    %scan3A = arith.constant 0 : i32
    %scan3A_6 = arith.constant 0 : i32
    %scan3A_7 = arith.constant 128 : i32
    %scan3A_8 = arith.addi %scan3A_6, %scan3A_7 : i32
    %scan3A_9 = arith.constant 1 : i32
    scf.for %scan3A_17 = %scan3A_6 to %scan3A_8 step %scan3A_9  : i32 {
      %swap3A = arith.index_cast %scan3A_17 : i32 to index
      %swap3A_18 = arith.constant 0 : index
      %swap3A_19 = tpu.vector_load %arg5[%swap3A, %swap3A_18] {strides = array<i32>} : memref<128x601xf32, #tpu.memory_space<vmem>>, vector<16xf32>,
      tpu.vector_store %arg5[%swap3A, %swap3A_18], %broadcast_in_dim3A_5 {strides = array<i32>} : memref<128x601xf32, #tpu.memory_space<vmem>>, vector<16xf32>,
      %swap3A_20 = arith.index_cast %scan3A_17 : i32 to index
      %swap3A_21 = arith.constant 16 : index
      %swap3A_22 = tpu.vector_load %arg5[%swap3A_20, %swap3A_21] {strides = array<i32>} : memref<128x601xf32, #tpu.memory_space<vmem>>, vector<16xf32>,
      tpu.vector_store %arg5[%swap3A_20, %swap3A_21], %broadcast_in_dim3A_5 {strides = array<i32>} : memref<128x601xf32, #tpu.memory_space<vmem>>, vector<16xf32>,
      %swap3A_23 = arith.index_cast %scan3A_17 : i32 to index
      %swap3A_24 = arith.constant 32 : index
      %swap3A_25 = tpu.vector_load %arg5[%swap3A_23, %swap3A_24] {strides = array<i32>} : memref<128x601xf32, #tpu.memory_space<vmem>>, vector<16xf32>,
      tpu.vector_store %arg5[%swap3A_23, %swap3A_24], %broadcast_in_dim3A_5 {strides = array<i32>} : memref<128x601xf32, #tpu.memory_space<vmem>>, vector<16xf32>,
      %swap3A_26 = arith.index_cast %scan3A_17 : i32 to index
      %swap3A_27 = arith.constant 48 : index
      %swap3A_28 = tpu.vector_load %arg5[%swap3A_26, %swap3A_27] {strides = array<i32>} : memref<128x601xf32, #tpu.memory_space<vmem>>, vector<16xf32>,
      tpu.vector_store %arg5[%swap3A_26, %swap3A_27], %broadcast_in_dim3A_5 {strides = array<i32>} : memref<128x601xf32, #tpu.memory_space<vmem>>, vector<16xf32>,
      %swap3A_29 = arith.index_cast %scan3A_17 : i32 to index
      %swap3A_30 = arith.constant 64 : index
      %swap3A_31 = tpu.vector_load %arg5[%swap3A_29, %swap3A_30] {strides = array<i32>} : memref<128x601xf32, #tpu.memory_space<vmem>>, vector<16xf32>,
      tpu.vector_store %arg5[%swap3A_29, %swap3A_30], %broadcast_in_dim3A_5 {strides = array<i32>} : memref<128x601xf32, #tpu.memory_space<vmem>>, vector<16xf32>,
      %swap3A_32 = arith.index_cast %scan3A_17 : i32 to index
      %swap3A_33 = arith.constant 80 : index
      %swap3A_34 = tpu.vector_load %arg5[%swap3A_32, %swap3A_33] {strides = array<i32>} : memref<128x601xf32, #tpu.memory_space<vmem>>, vector<16xf32>,
      tpu.vector_store %arg5[%swap3A_32, %swap3A_33], %broadcast_in_dim3A_5 {strides = array<i32>} : memref<128x601xf32, #tpu.memory_space<vmem>>, vector<16xf32>,
      %swap3A_35 = arith.index_cast %scan3A_17 : i32 to index
      %swap3A_36 = arith.constant 96 : index
      %swap3A_37 = tpu.vector_load %arg5[%swap3A_35, %swap3A_36] {strides = array<i32>} : memref<128x601xf32, #tpu.memory_space<vmem>>, vector<16xf32>,
      tpu.vector_store %arg5[%swap3A_35, %swap3A_36], %broadcast_in_dim3A_5 {strides = array<i32>} : memref<128x601xf32, #tpu.memory_space<vmem>>, vector<16xf32>,
      %swap3A_38 = arith.index_cast %scan3A_17 : i32 to index
      %swap3A_39 = arith.constant 112 : index
      %swap3A_40 = tpu.vector_load %arg5[%swap3A_38, %swap3A_39] {strides = array<i32>} : memref<128x601xf32, #tpu.memory_space<vmem>>, vector<16xf32>,
      tpu.vector_store %arg5[%swap3A_38, %swap3A_39], %broadcast_in_dim3A_5 {strides = array<i32>} : memref<128x601xf32, #tpu.memory_space<vmem>>, vector<16xf32>,
      %swap3A_41 = arith.index_cast %scan3A_17 : i32 to index
      %swap3A_42 = arith.constant 128 : index
      %swap3A_43 = tpu.vector_load %arg5[%swap3A_41, %swap3A_42] {strides = array<i32>} : memref<128x601xf32, #tpu.memory_space<vmem>>, vector<16xf32>,
      tpu.vector_store %arg5[%swap3A_41, %swap3A_42], %broadcast_in_dim3A_5 {strides = array<i32>} : memref<128x601xf32, #tpu.memory_space<vmem>>, vector<16xf32>,
      %swap3A_44 = arith.index_cast %scan3A_17 : i32 to index
      %swap3A_45 = arith.constant 144 : index
      %swap3A_46 = tpu.vector_load %arg5[%swap3A_44, %swap3A_45] {strides = array<i32>} : memref<128x601xf32, #tpu.memory_space<vmem>>, vector<16xf32>,
      tpu.vector_store %arg5[%swap3A_44, %swap3A_45], %broadcast_in_dim3A_5 {strides = array<i32>} : memref<128x601xf32, #tpu.memory_space<vmem>>, vector<16xf32>,
      %swap3A_47 = arith.index_cast %scan3A_17 : i32 to index
      %swap3A_48 = arith.constant 160 : index
      %swap3A_49 = tpu.vector_load %arg5[%swap3A_47, %swap3A_48] {strides = array<i32>} : memref<128x601xf32, #tpu.memory_space<vmem>>, vector<16xf32>,
      tpu.vector_store %arg5[%swap3A_47, %swap3A_48], %broadcast_in_dim3A_5 {strides = array<i32>} : memref<128x601xf32, #tpu.memory_space<vmem>>, vector<16xf32>,
      %swap3A_50 = arith.index_cast %scan3A_17 : i32 to index
      %swap3A_51 = arith.constant 176 : index
      %swap3A_52 = tpu.vector_load %arg5[%swap3A_50, %swap3A_51] {strides = array<i32>} : memref<128x601xf32, #tpu.memory_space<vmem>>, vector<16xf32>,
      tpu.vector_store %arg5[%swap3A_50, %swap3A_51], %broadcast_in_dim3A_5 {strides = array<i32>} : memref<128x601xf32, #tpu.memory_space<vmem>>, vector<16xf32>,
      %swap3A_53 = arith.index_cast %scan3A_17 : i32 to index
      %swap3A_54 = arith.constant 192 : index
      %swap3A_55 = tpu.vector_load %arg5[%swap3A_53, %swap3A_54] {strides = array<i32>} : memref<128x601xf32, #tpu.memory_space<vmem>>, vector<16xf32>,
      tpu.vector_store %arg5[%swap3A_53, %swap3A_54], %broadcast_in_dim3A_5 {strides = array<i32>} : memref<128x601xf32, #tpu.memory_space<vmem>>, vector<16xf32>,
      %swap3A_56 = arith.index_cast %scan3A_17 : i32 to index
      %swap3A_57 = arith.constant 208 : index
      %swap3A_58 = tpu.vector_load %arg5[%swap3A_56, %swap3A_57] {strides = array<i32>} : memref<128x601xf32, #tpu.memory_space<vmem>>, vector<16xf32>,
      tpu.vector_store %arg5[%swap3A_56, %swap3A_57], %broadcast_in_dim3A_5 {strides = array<i32>} : memref<128x601xf32, #tpu.memory_space<vmem>>, vector<16xf32>,
      %swap3A_59 = arith.index_cast %scan3A_17 : i32 to index
      %swap3A_60 = arith.constant 224 : index
      %swap3A_61 = tpu.vector_load %arg5[%swap3A_59, %swap3A_60] {strides = array<i32>} : memref<128x601xf32, #tpu.memory_space<vmem>>, vector<16xf32>,
      tpu.vector_store %arg5[%swap3A_59, %swap3A_60], %broadcast_in_dim3A_5 {strides = array<i32>} : memref<128x601xf32, #tpu.memory_space<vmem>>, vector<16xf32>,
      %swap3A_62 = arith.index_cast %scan3A_17 : i32 to index
      %swap3A_63 = arith.constant 240 : index
      %swap3A_64 = tpu.vector_load %arg5[%swap3A_62, %swap3A_63] {strides = array<i32>} : memref<128x601xf32, #tpu.memory_space<vmem>>, vector<16xf32>,
      tpu.vector_store %arg5[%swap3A_62, %swap3A_63], %broadcast_in_dim3A_5 {strides = array<i32>} : memref<128x601xf32, #tpu.memory_space<vmem>>, vector<16xf32>,
      %swap3A_65 = arith.index_cast %scan3A_17 : i32 to index
      %swap3A_66 = arith.constant 256 : index
      %swap3A_67 = tpu.vector_load %arg5[%swap3A_65, %swap3A_66] {strides = array<i32>} : memref<128x601xf32, #tpu.memory_space<vmem>>, vector<16xf32>,
      tpu.vector_store %arg5[%swap3A_65, %swap3A_66], %broadcast_in_dim3A_5 {strides = array<i32>} : memref<128x601xf32, #tpu.memory_space<vmem>>, vector<16xf32>,
      %swap3A_68 = arith.index_cast %scan3A_17 : i32 to index
      %swap3A_69 = arith.constant 272 : index
      %swap3A_70 = tpu.vector_load %arg5[%swap3A_68, %swap3A_69] {strides = array<i32>} : memref<128x601xf32, #tpu.memory_space<vmem>>, vector<16xf32>,
      tpu.vector_store %arg5[%swap3A_68, %swap3A_69], %broadcast_in_dim3A_5 {strides = array<i32>} : memref<128x601xf32, #tpu.memory_space<vmem>>, vector<16xf32>,
      %swap3A_71 = arith.index_cast %scan3A_17 : i32 to index
      %swap3A_72 = arith.constant 288 : index
      %swap3A_73 = tpu.vector_load %arg5[%swap3A_71, %swap3A_72] {strides = array<i32>} : memref<128x601xf32, #tpu.memory_space<vmem>>, vector<16xf32>,
      tpu.vector_store %arg5[%swap3A_71, %swap3A_72], %broadcast_in_dim3A_5 {strides = array<i32>} : memref<128x601xf32, #tpu.memory_space<vmem>>, vector<16xf32>,
      %swap3A_74 = arith.index_cast %scan3A_17 : i32 to index
      %swap3A_75 = arith.constant 304 : index
      %swap3A_76 = tpu.vector_load %arg5[%swap3A_74, %swap3A_75] {strides = array<i32>} : memref<128x601xf32, #tpu.memory_space<vmem>>, vector<16xf32>,
      tpu.vector_store %arg5[%swap3A_74, %swap3A_75], %broadcast_in_dim3A_5 {strides = array<i32>} : memref<128x601xf32, #tpu.memory_space<vmem>>, vector<16xf32>,
      %swap3A_77 = arith.index_cast %scan3A_17 : i32 to index
      %swap3A_78 = arith.constant 320 : index
      %swap3A_79 = tpu.vector_load %arg5[%swap3A_77, %swap3A_78] {strides = array<i32>} : memref<128x601xf32, #tpu.memory_space<vmem>>, vector<16xf32>,
      tpu.vector_store %arg5[%swap3A_77, %swap3A_78], %broadcast_in_dim3A_5 {strides = array<i32>} : memref<128x601xf32, #tpu.memory_space<vmem>>, vector<16xf32>,
      %swap3A_80 = arith.index_cast %scan3A_17 : i32 to index
      %swap3A_81 = arith.constant 336 : index
      %swap3A_82 = tpu.vector_load %arg5[%swap3A_80, %swap3A_81] {strides = array<i32>} : memref<128x601xf32, #tpu.memory_space<vmem>>, vector<16xf32>,
      tpu.vector_store %arg5[%swap3A_80, %swap3A_81], %broadcast_in_dim3A_5 {strides = array<i32>} : memref<128x601xf32, #tpu.memory_space<vmem>>, vector<16xf32>,
      %swap3A_83 = arith.index_cast %scan3A_17 : i32 to index
      %swap3A_84 = arith.constant 352 : index
      %swap3A_85 = tpu.vector_load %arg5[%swap3A_83, %swap3A_84] {strides = array<i32>} : memref<128x601xf32, #tpu.memory_space<vmem>>, vector<16xf32>,
      tpu.vector_store %arg5[%swap3A_83, %swap3A_84], %broadcast_in_dim3A_5 {strides = array<i32>} : memref<128x601xf32, #tpu.memory_space<vmem>>, vector<16xf32>,
      %swap3A_86 = arith.index_cast %scan3A_17 : i32 to index
      %swap3A_87 = arith.constant 368 : index
      %swap3A_88 = tpu.vector_load %arg5[%swap3A_86, %swap3A_87] {strides = array<i32>} : memref<128x601xf32, #tpu.memory_space<vmem>>, vector<16xf32>,
      tpu.vector_store %arg5[%swap3A_86, %swap3A_87], %broadcast_in_dim3A_5 {strides = array<i32>} : memref<128x601xf32, #tpu.memory_space<vmem>>, vector<16xf32>,
      %swap3A_89 = arith.index_cast %scan3A_17 : i32 to index
      %swap3A_90 = arith.constant 384 : index
      %swap3A_91 = tpu.vector_load %arg5[%swap3A_89, %swap3A_90] {strides = array<i32>} : memref<128x601xf32, #tpu.memory_space<vmem>>, vector<16xf32>,
      tpu.vector_store %arg5[%swap3A_89, %swap3A_90], %broadcast_in_dim3A_5 {strides = array<i32>} : memref<128x601xf32, #tpu.memory_space<vmem>>, vector<16xf32>,
      %swap3A_92 = arith.index_cast %scan3A_17 : i32 to index
      %swap3A_93 = arith.constant 400 : index
      %swap3A_94 = tpu.vector_load %arg5[%swap3A_92, %swap3A_93] {strides = array<i32>} : memref<128x601xf32, #tpu.memory_space<vmem>>, vector<16xf32>,
      tpu.vector_store %arg5[%swap3A_92, %swap3A_93], %broadcast_in_dim3A_5 {strides = array<i32>} : memref<128x601xf32, #tpu.memory_space<vmem>>, vector<16xf32>,
      %swap3A_95 = arith.index_cast %scan3A_17 : i32 to index
      %swap3A_96 = arith.constant 416 : index
      %swap3A_97 = tpu.vector_load %arg5[%swap3A_95, %swap3A_96] {strides = array<i32>} : memref<128x601xf32, #tpu.memory_space<vmem>>, vector<16xf32>,
      tpu.vector_store %arg5[%swap3A_95, %swap3A_96], %broadcast_in_dim3A_5 {strides = array<i32>} : memref<128x601xf32, #tpu.memory_space<vmem>>, vector<16xf32>,
      %swap3A_98 = arith.index_cast %scan3A_17 : i32 to index
      %swap3A_99 = arith.constant 432 : index
      %swap3A_100 = tpu.vector_load %arg5[%swap3A_98, %swap3A_99] {strides = array<i32>} : memref<128x601xf32, #tpu.memory_space<vmem>>, vector<16xf32>,
      tpu.vector_store %arg5[%swap3A_98, %swap3A_99], %broadcast_in_dim3A_5 {strides = array<i32>} : memref<128x601xf32, #tpu.memory_space<vmem>>, vector<16xf32>,
      %swap3A_101 = arith.index_cast %scan3A_17 : i32 to index
      %swap3A_102 = arith.constant 448 : index
      %swap3A_103 = tpu.vector_load %arg5[%swap3A_101, %swap3A_102] {strides = array<i32>} : memref<128x601xf32, #tpu.memory_space<vmem>>, vector<16xf32>,
      tpu.vector_store %arg5[%swap3A_101, %swap3A_102], %broadcast_in_dim3A_5 {strides = array<i32>} : memref<128x601xf32, #tpu.memory_space<vmem>>, vector<16xf32>,
      %swap3A_104 = arith.index_cast %scan3A_17 : i32 to index
      %swap3A_105 = arith.constant 464 : index
      %swap3A_106 = tpu.vector_load %arg5[%swap3A_104, %swap3A_105] {strides = array<i32>} : memref<128x601xf32, #tpu.memory_space<vmem>>, vector<16xf32>,
      tpu.vector_store %arg5[%swap3A_104, %swap3A_105], %broadcast_in_dim3A_5 {strides = array<i32>} : memref<128x601xf32, #tpu.memory_space<vmem>>, vector<16xf32>,
      %swap3A_107 = arith.index_cast %scan3A_17 : i32 to index
      %swap3A_108 = arith.constant 480 : index
      %swap3A_109 = tpu.vector_load %arg5[%swap3A_107, %swap3A_108] {strides = array<i32>} : memref<128x601xf32, #tpu.memory_space<vmem>>, vector<16xf32>,
      tpu.vector_store %arg5[%swap3A_107, %swap3A_108], %broadcast_in_dim3A_5 {strides = array<i32>} : memref<128x601xf32, #tpu.memory_space<vmem>>, vector<16xf32>,
      %swap3A_110 = arith.index_cast %scan3A_17 : i32 to index
      %swap3A_111 = arith.constant 496 : index
      %swap3A_112 = tpu.vector_load %arg5[%swap3A_110, %swap3A_111] {strides = array<i32>} : memref<128x601xf32, #tpu.memory_space<vmem>>, vector<16xf32>,
      tpu.vector_store %arg5[%swap3A_110, %swap3A_111], %broadcast_in_dim3A_5 {strides = array<i32>} : memref<128x601xf32, #tpu.memory_space<vmem>>, vector<16xf32>,
      %swap3A_113 = arith.index_cast %scan3A_17 : i32 to index
      %swap3A_114 = arith.constant 512 : index
      %swap3A_115 = tpu.vector_load %arg5[%swap3A_113, %swap3A_114] {strides = array<i32>} : memref<128x601xf32, #tpu.memory_space<vmem>>, vector<16xf32>,
      tpu.vector_store %arg5[%swap3A_113, %swap3A_114], %broadcast_in_dim3A_5 {strides = array<i32>} : memref<128x601xf32, #tpu.memory_space<vmem>>, vector<16xf32>,
      %swap3A_116 = arith.index_cast %scan3A_17 : i32 to index
      %swap3A_117 = arith.constant 528 : index
      %swap3A_118 = tpu.vector_load %arg5[%swap3A_116, %swap3A_117] {strides = array<i32>} : memref<128x601xf32, #tpu.memory_space<vmem>>, vector<16xf32>,
      tpu.vector_store %arg5[%swap3A_116, %swap3A_117], %broadcast_in_dim3A_5 {strides = array<i32>} : memref<128x601xf32, #tpu.memory_space<vmem>>, vector<16xf32>,
      %swap3A_119 = arith.index_cast %scan3A_17 : i32 to index
      %swap3A_120 = arith.constant 544 : index
      %swap3A_121 = tpu.vector_load %arg5[%swap3A_119, %swap3A_120] {strides = array<i32>} : memref<128x601xf32, #tpu.memory_space<vmem>>, vector<16xf32>,
      tpu.vector_store %arg5[%swap3A_119, %swap3A_120], %broadcast_in_dim3A_5 {strides = array<i32>} : memref<128x601xf32, #tpu.memory_space<vmem>>, vector<16xf32>,
      %swap3A_122 = arith.index_cast %scan3A_17 : i32 to index
      %swap3A_123 = arith.constant 560 : index
      %swap3A_124 = tpu.vector_load %arg5[%swap3A_122, %swap3A_123] {strides = array<i32>} : memref<128x601xf32, #tpu.memory_space<vmem>>, vector<16xf32>,
      tpu.vector_store %arg5[%swap3A_122, %swap3A_123], %broadcast_in_dim3A_5 {strides = array<i32>} : memref<128x601xf32, #tpu.memory_space<vmem>>, vector<16xf32>,
      %swap3A_125 = arith.index_cast %scan3A_17 : i32 to index
      %swap3A_126 = arith.constant 576 : index
      %swap3A_127 = tpu.vector_load %arg5[%swap3A_125, %swap3A_126] {strides = array<i32>} : memref<128x601xf32, #tpu.memory_space<vmem>>, vector<16xf32>,
      tpu.vector_store %arg5[%swap3A_125, %swap3A_126], %broadcast_in_dim3A_5 {strides = array<i32>} : memref<128x601xf32, #tpu.memory_space<vmem>>, vector<16xf32>,
      %swap3A_128 = arith.index_cast %scan3A_17 : i32 to index
      %swap3A_129 = arith.constant 585 : index
      %swap3A_130 = tpu.vector_load %arg5[%swap3A_128, %swap3A_129] {strides = array<i32>} : memref<128x601xf32, #tpu.memory_space<vmem>>, vector<16xf32>,
      tpu.vector_store %arg5[%swap3A_128, %swap3A_129], %broadcast_in_dim3A_5 {strides = array<i32>} : memref<128x601xf32, #tpu.memory_space<vmem>>, vector<16xf32>,
    }
    %scan3A_10 = arith.constant 128 : i32
    %scan3A_11 = arith.constant 0 : i32
    %scan3A_12 = arith.constant 0 : i32
    %scan3A_13 = arith.constant 4 : i32
    %scan3A_14 = arith.addi %scan3A_12, %scan3A_13 : i32
    %scan3A_15 = arith.constant 1 : i32
    scf.for %scan3A_17 = %scan3A_12 to %scan3A_14 step %scan3A_15  : i32 {
      %mul3A_18 = arith.constant 128 : i32
      %mul3A_19 = arith.muli %scan3A_17, %mul3A_18 : i32
      %add3A_20 = arith.addi %mul3A_2, %mul3A_19 : i32
      %jit3A = arith.constant 128 : i32
      %div3A = arith.divsi %add3A_20, %jit3A : i32
      %sign3A = arith.constant 0 : i32
      %sign3A_21 = arith.cmpi sgt, %add3A_20, %sign3A : i32
      %sign3A_22 = arith.extui %sign3A_21 : i1 to i32
      %sign3A_23 = arith.constant 0 : i32
      %sign3A_24 = arith.cmpi slt, %add3A_20, %sign3A_23 : i32
      %sign3A_25 = arith.extui %sign3A_24 : i1 to i32
      %sign3A_26 = arith.subi %sign3A_22, %sign3A_25 : i32
      %sign3A_27 = arith.constant 0 : i32
      %sign3A_28 = arith.cmpi sgt, %jit3A, %sign3A_27 : i32
      %sign3A_29 = arith.extui %sign3A_28 : i1 to i32
      %sign3A_30 = arith.constant 0 : i32
      %sign3A_31 = arith.cmpi slt, %jit3A, %sign3A_30 : i32
      %sign3A_32 = arith.extui %sign3A_31 : i1 to i32
      %sign3A_33 = arith.subi %sign3A_29, %sign3A_32 : i32
      %ne3A = arith.cmpi ne, %sign3A_26, %sign3A_33 : i32
      %rem3A = arith.remsi %add3A_20, %jit3A : i32
      %ne3A_34 = arith.constant 0 : i32
      %ne3A_35 = arith.cmpi ne, %rem3A, %ne3A_34 : i32
      %and3A = arith.andi %ne3A, %ne3A_35 : i1
      %sub3A = arith.constant 1 : i32
      %sub3A_36 = arith.subi %div3A, %sub3A : i32
      %select_n3A = arith.select %and3A, %sub3A_36, %div3A : i32
      "tpu.region"() ({
        %run_scoped3A = tpu.sem_alloc : memref<!tpu.dma_semaphore, #tpu.memory_space<semaphore_mem>>
        %dma_start3A = arith.constant 0 : i32
        %dma_start3A_260 = tpu.memref_slice %arg2[%select_n3A, %dma_start3A] : memref<128x128xf32, #tpu.memory_space<hbm>> -> memref<1x128xf32, #tpu.memory_space<hbm>>
        %dma_start3A_261 = arith.constant 0 : i32
        %dma_start3A_262 = tpu.memref_slice %arg2[%select_n3A, %dma_start3A_261] : memref<128x128xf32, #tpu.memory_space<hbm>> -> memref<1x128xf32, #tpu.memory_space<hbm>>
        tpu.enqueue_dma source(%dma_start3A_262 : memref<1x128xf32, #tpu.memory_space<hbm>>) target(%arg4 : memref<1x128xf32, #tpu.memory_space<vmem>>) target_semaphore(%run_scoped3A : memref<!tpu.dma_semaphore, #tpu.memory_space<semaphore_mem>>)
        %dma_wait3A = arith.constant 0 : i32
        %dma_wait3A_263 = tpu.memref_slice %arg2[%select_n3A, %dma_wait3A] : memref<128x128xf32, #tpu.memory_space<hbm>> -> memref<1x128xf32, #tpu.memory_space<hbm>>
        %dma_wait3A_264 = arith.constant 0 : i32
        %dma_wait3A_265 = tpu.memref_slice %arg2[%select_n3A, %dma_wait3A_264] : memref<128x128xf32, #tpu.memory_space<hbm>> -> memref<1x128xf32, #tpu.memory_space<hbm>>
        tpu.wait_dma2 semaphore(%run_scoped3A : memref<!tpu.dma_semaphore, #tpu.memory_space<semaphore_mem>>) src(%dma_wait3A_265 : memref<1x128xf32, #tpu.memory_space<hbm>>) dst(%arg4 : memref<1x128xf32, #tpu.memory_space<vmem>>)
        tpu.yield
      }) : () -> ()
      %add3A_37 = arith.constant 0 : i32
      %add3A_38 = vector.broadcast %add3A_37 : i32 to vector<16xi32>
      %add3A_39 = arith.addi %add3A_38, %iota3A : vector<16xi32>
      %get3A = arith.constant 0 : i32
      %get3A_40 = arith.index_cast %get3A : i32 to index
      %get3A_41 = arith.constant 0 : index
      %get3A_42 = tpu.vector_load %arg4[%get3A_40, %get3A_41] {strides = array<i32>} : memref<1x128xf32, #tpu.memory_space<vmem>>, vector<16xf32>,
      %add3A_43 = arith.constant 3.000000e+02 : f32
      %add3A_44 = vector.broadcast %add3A_43 : f32 to vector<16xf32>
      %add3A_45 = arith.addf %get3A_42, %add3A_44 : vector<16xf32>
      %convert_element_type3A = arith.fptosi %add3A_45 : vector<16xf32> to vector<16xi32>
      %jit3A_46 = arith.constant 0 : i32
      %jit3A_47 = arith.constant 600 : i32
      %max3A = vector.broadcast %jit3A_46 : i32 to vector<16xi32>
      %max3A_48 = arith.maxsi %max3A, %convert_element_type3A : vector<16xi32>
      %min3A = vector.broadcast %jit3A_47 : i32 to vector<16xi32>
      %min3A_49 = arith.minsi %min3A, %max3A_48 : vector<16xi32>
      %convert_element_type3A_50 = arith.sitofp %min3A_49 : vector<16xi32> to vector<16xf32>
      %sub3A_51 = arith.subf %add3A_45, %convert_element_type3A_50 : vector<16xf32>
      %add3A_52 = arith.constant 1 : i32
      %add3A_53 = vector.broadcast %add3A_52 : i32 to vector<16xi32>
      %add3A_54 = arith.addi %min3A_49, %add3A_53 : vector<16xi32>
      %min3A_55 = arith.constant 600 : i32
      %min3A_56 = vector.broadcast %min3A_55 : i32 to vector<16xi32>
      %min3A_57 = arith.minsi %add3A_54, %min3A_56 : vector<16xi32>
      %sub3A_58 = arith.constant 1.000000e+00 : f32
      %sub3A_59 = vector.broadcast %sub3A_58 : f32 to vector<16xf32>
      %sub3A_60 = arith.subf %sub3A_59, %sub3A_51 : vector<16xf32>
      tpu.vector_store_idx %arg5[%add3A_39, %min3A_49], %sub3A_60 : memref<128x601xf32, #tpu.memory_space<vmem>>[vector<16xi32>, vector<16xi32>], vector<16xf32>,
      tpu.vector_store_idx %arg5[%add3A_39, %min3A_57], %sub3A_51 {add = true} : memref<128x601xf32, #tpu.memory_space<vmem>>[vector<16xi32>, vector<16xi32>], vector<16xf32>,
      %add3A_61 = arith.constant 16 : i32
      %add3A_62 = vector.broadcast %add3A_61 : i32 to vector<16xi32>
      %add3A_63 = arith.addi %add3A_62, %iota3A : vector<16xi32>
      %get3A_64 = arith.constant 0 : i32
      %get3A_65 = arith.index_cast %get3A_64 : i32 to index
      %get3A_66 = arith.constant 16 : index
      %get3A_67 = tpu.vector_load %arg4[%get3A_65, %get3A_66] {strides = array<i32>} : memref<1x128xf32, #tpu.memory_space<vmem>>, vector<16xf32>,
      %add3A_68 = arith.constant 3.000000e+02 : f32
      %add3A_69 = vector.broadcast %add3A_68 : f32 to vector<16xf32>
      %add3A_70 = arith.addf %get3A_67, %add3A_69 : vector<16xf32>
      %convert_element_type3A_71 = arith.fptosi %add3A_70 : vector<16xf32> to vector<16xi32>
      %jit3A_72 = arith.constant 0 : i32
      %jit3A_73 = arith.constant 600 : i32
      %max3A_74 = vector.broadcast %jit3A_72 : i32 to vector<16xi32>
      %max3A_75 = arith.maxsi %max3A_74, %convert_element_type3A_71 : vector<16xi32>
      %min3A_76 = vector.broadcast %jit3A_73 : i32 to vector<16xi32>
      %min3A_77 = arith.minsi %min3A_76, %max3A_75 : vector<16xi32>
      %convert_element_type3A_78 = arith.sitofp %min3A_77 : vector<16xi32> to vector<16xf32>
      %sub3A_79 = arith.subf %add3A_70, %convert_element_type3A_78 : vector<16xf32>
      %add3A_80 = arith.constant 1 : i32
      %add3A_81 = vector.broadcast %add3A_80 : i32 to vector<16xi32>
      %add3A_82 = arith.addi %min3A_77, %add3A_81 : vector<16xi32>
      %min3A_83 = arith.constant 600 : i32
      %min3A_84 = vector.broadcast %min3A_83 : i32 to vector<16xi32>
      %min3A_85 = arith.minsi %add3A_82, %min3A_84 : vector<16xi32>
      %sub3A_86 = arith.constant 1.000000e+00 : f32
      %sub3A_87 = vector.broadcast %sub3A_86 : f32 to vector<16xf32>
      %sub3A_88 = arith.subf %sub3A_87, %sub3A_79 : vector<16xf32>
      tpu.vector_store_idx %arg5[%add3A_63, %min3A_77], %sub3A_88 : memref<128x601xf32, #tpu.memory_space<vmem>>[vector<16xi32>, vector<16xi32>], vector<16xf32>,
      tpu.vector_store_idx %arg5[%add3A_63, %min3A_85], %sub3A_79 {add = true} : memref<128x601xf32, #tpu.memory_space<vmem>>[vector<16xi32>, vector<16xi32>], vector<16xf32>,
      %add3A_89 = arith.constant 32 : i32
      %add3A_90 = vector.broadcast %add3A_89 : i32 to vector<16xi32>
      %add3A_91 = arith.addi %add3A_90, %iota3A : vector<16xi32>
      %get3A_92 = arith.constant 0 : i32
      %get3A_93 = arith.index_cast %get3A_92 : i32 to index
      %get3A_94 = arith.constant 32 : index
      %get3A_95 = tpu.vector_load %arg4[%get3A_93, %get3A_94] {strides = array<i32>} : memref<1x128xf32, #tpu.memory_space<vmem>>, vector<16xf32>,
      %add3A_96 = arith.constant 3.000000e+02 : f32
      %add3A_97 = vector.broadcast %add3A_96 : f32 to vector<16xf32>
      %add3A_98 = arith.addf %get3A_95, %add3A_97 : vector<16xf32>
      %convert_element_type3A_99 = arith.fptosi %add3A_98 : vector<16xf32> to vector<16xi32>
      %jit3A_100 = arith.constant 0 : i32
      %jit3A_101 = arith.constant 600 : i32
      %max3A_102 = vector.broadcast %jit3A_100 : i32 to vector<16xi32>
      %max3A_103 = arith.maxsi %max3A_102, %convert_element_type3A_99 : vector<16xi32>
      %min3A_104 = vector.broadcast %jit3A_101 : i32 to vector<16xi32>
      %min3A_105 = arith.minsi %min3A_104, %max3A_103 : vector<16xi32>
      %convert_element_type3A_106 = arith.sitofp %min3A_105 : vector<16xi32> to vector<16xf32>
      %sub3A_107 = arith.subf %add3A_98, %convert_element_type3A_106 : vector<16xf32>
      %add3A_108 = arith.constant 1 : i32
      %add3A_109 = vector.broadcast %add3A_108 : i32 to vector<16xi32>
      %add3A_110 = arith.addi %min3A_105, %add3A_109 : vector<16xi32>
      %min3A_111 = arith.constant 600 : i32
      %min3A_112 = vector.broadcast %min3A_111 : i32 to vector<16xi32>
      %min3A_113 = arith.minsi %add3A_110, %min3A_112 : vector<16xi32>
      %sub3A_114 = arith.constant 1.000000e+00 : f32
      %sub3A_115 = vector.broadcast %sub3A_114 : f32 to vector<16xf32>
      %sub3A_116 = arith.subf %sub3A_115, %sub3A_107 : vector<16xf32>
      tpu.vector_store_idx %arg5[%add3A_91, %min3A_105], %sub3A_116 : memref<128x601xf32, #tpu.memory_space<vmem>>[vector<16xi32>, vector<16xi32>], vector<16xf32>,
      tpu.vector_store_idx %arg5[%add3A_91, %min3A_113], %sub3A_107 {add = true} : memref<128x601xf32, #tpu.memory_space<vmem>>[vector<16xi32>, vector<16xi32>], vector<16xf32>,
      %add3A_117 = arith.constant 48 : i32
      %add3A_118 = vector.broadcast %add3A_117 : i32 to vector<16xi32>
      %add3A_119 = arith.addi %add3A_118, %iota3A : vector<16xi32>
      %get3A_120 = arith.constant 0 : i32
      %get3A_121 = arith.index_cast %get3A_120 : i32 to index
      %get3A_122 = arith.constant 48 : index
      %get3A_123 = tpu.vector_load %arg4[%get3A_121, %get3A_122] {strides = array<i32>} : memref<1x128xf32, #tpu.memory_space<vmem>>, vector<16xf32>,
      %add3A_124 = arith.constant 3.000000e+02 : f32
      %add3A_125 = vector.broadcast %add3A_124 : f32 to vector<16xf32>
      %add3A_126 = arith.addf %get3A_123, %add3A_125 : vector<16xf32>
      %convert_element_type3A_127 = arith.fptosi %add3A_126 : vector<16xf32> to vector<16xi32>
      %jit3A_128 = arith.constant 0 : i32
      %jit3A_129 = arith.constant 600 : i32
      %max3A_130 = vector.broadcast %jit3A_128 : i32 to vector<16xi32>
      %max3A_131 = arith.maxsi %max3A_130, %convert_element_type3A_127 : vector<16xi32>
      %min3A_132 = vector.broadcast %jit3A_129 : i32 to vector<16xi32>
      %min3A_133 = arith.minsi %min3A_132, %max3A_131 : vector<16xi32>
      %convert_element_type3A_134 = arith.sitofp %min3A_133 : vector<16xi32> to vector<16xf32>
      %sub3A_135 = arith.subf %add3A_126, %convert_element_type3A_134 : vector<16xf32>
      %add3A_136 = arith.constant 1 : i32
      %add3A_137 = vector.broadcast %add3A_136 : i32 to vector<16xi32>
      %add3A_138 = arith.addi %min3A_133, %add3A_137 : vector<16xi32>
      %min3A_139 = arith.constant 600 : i32
      %min3A_140 = vector.broadcast %min3A_139 : i32 to vector<16xi32>
      %min3A_141 = arith.minsi %add3A_138, %min3A_140 : vector<16xi32>
      %sub3A_142 = arith.constant 1.000000e+00 : f32
      %sub3A_143 = vector.broadcast %sub3A_142 : f32 to vector<16xf32>
      %sub3A_144 = arith.subf %sub3A_143, %sub3A_135 : vector<16xf32>
      tpu.vector_store_idx %arg5[%add3A_119, %min3A_133], %sub3A_144 : memref<128x601xf32, #tpu.memory_space<vmem>>[vector<16xi32>, vector<16xi32>], vector<16xf32>,
      tpu.vector_store_idx %arg5[%add3A_119, %min3A_141], %sub3A_135 {add = true} : memref<128x601xf32, #tpu.memory_space<vmem>>[vector<16xi32>, vector<16xi32>], vector<16xf32>,
      %add3A_145 = arith.constant 64 : i32
      %add3A_146 = vector.broadcast %add3A_145 : i32 to vector<16xi32>
      %add3A_147 = arith.addi %add3A_146, %iota3A : vector<16xi32>
      %get3A_148 = arith.constant 0 : i32
      %get3A_149 = arith.index_cast %get3A_148 : i32 to index
      %get3A_150 = arith.constant 64 : index
      %get3A_151 = tpu.vector_load %arg4[%get3A_149, %get3A_150] {strides = array<i32>} : memref<1x128xf32, #tpu.memory_space<vmem>>, vector<16xf32>,
      %add3A_152 = arith.constant 3.000000e+02 : f32
      %add3A_153 = vector.broadcast %add3A_152 : f32 to vector<16xf32>
      %add3A_154 = arith.addf %get3A_151, %add3A_153 : vector<16xf32>
      %convert_element_type3A_155 = arith.fptosi %add3A_154 : vector<16xf32> to vector<16xi32>
      %jit3A_156 = arith.constant 0 : i32
      %jit3A_157 = arith.constant 600 : i32
      %max3A_158 = vector.broadcast %jit3A_156 : i32 to vector<16xi32>
      %max3A_159 = arith.maxsi %max3A_158, %convert_element_type3A_155 : vector<16xi32>
      %min3A_160 = vector.broadcast %jit3A_157 : i32 to vector<16xi32>
      %min3A_161 = arith.minsi %min3A_160, %max3A_159 : vector<16xi32>
      %convert_element_type3A_162 = arith.sitofp %min3A_161 : vector<16xi32> to vector<16xf32>
      %sub3A_163 = arith.subf %add3A_154, %convert_element_type3A_162 : vector<16xf32>
      %add3A_164 = arith.constant 1 : i32
      %add3A_165 = vector.broadcast %add3A_164 : i32 to vector<16xi32>
      %add3A_166 = arith.addi %min3A_161, %add3A_165 : vector<16xi32>
      %min3A_167 = arith.constant 600 : i32
      %min3A_168 = vector.broadcast %min3A_167 : i32 to vector<16xi32>
      %min3A_169 = arith.minsi %add3A_166, %min3A_168 : vector<16xi32>
      %sub3A_170 = arith.constant 1.000000e+00 : f32
      %sub3A_171 = vector.broadcast %sub3A_170 : f32 to vector<16xf32>
      %sub3A_172 = arith.subf %sub3A_171, %sub3A_163 : vector<16xf32>
      tpu.vector_store_idx %arg5[%add3A_147, %min3A_161], %sub3A_172 : memref<128x601xf32, #tpu.memory_space<vmem>>[vector<16xi32>, vector<16xi32>], vector<16xf32>,
      tpu.vector_store_idx %arg5[%add3A_147, %min3A_169], %sub3A_163 {add = true} : memref<128x601xf32, #tpu.memory_space<vmem>>[vector<16xi32>, vector<16xi32>], vector<16xf32>,
      %add3A_173 = arith.constant 80 : i32
      %add3A_174 = vector.broadcast %add3A_173 : i32 to vector<16xi32>
      %add3A_175 = arith.addi %add3A_174, %iota3A : vector<16xi32>
      %get3A_176 = arith.constant 0 : i32
      %get3A_177 = arith.index_cast %get3A_176 : i32 to index
      %get3A_178 = arith.constant 80 : index
      %get3A_179 = tpu.vector_load %arg4[%get3A_177, %get3A_178] {strides = array<i32>} : memref<1x128xf32, #tpu.memory_space<vmem>>, vector<16xf32>,
      %add3A_180 = arith.constant 3.000000e+02 : f32
      %add3A_181 = vector.broadcast %add3A_180 : f32 to vector<16xf32>
      %add3A_182 = arith.addf %get3A_179, %add3A_181 : vector<16xf32>
      %convert_element_type3A_183 = arith.fptosi %add3A_182 : vector<16xf32> to vector<16xi32>
      %jit3A_184 = arith.constant 0 : i32
      %jit3A_185 = arith.constant 600 : i32
      %max3A_186 = vector.broadcast %jit3A_184 : i32 to vector<16xi32>
      %max3A_187 = arith.maxsi %max3A_186, %convert_element_type3A_183 : vector<16xi32>
      %min3A_188 = vector.broadcast %jit3A_185 : i32 to vector<16xi32>
      %min3A_189 = arith.minsi %min3A_188, %max3A_187 : vector<16xi32>
      %convert_element_type3A_190 = arith.sitofp %min3A_189 : vector<16xi32> to vector<16xf32>
      %sub3A_191 = arith.subf %add3A_182, %convert_element_type3A_190 : vector<16xf32>
      %add3A_192 = arith.constant 1 : i32
      %add3A_193 = vector.broadcast %add3A_192 : i32 to vector<16xi32>
      %add3A_194 = arith.addi %min3A_189, %add3A_193 : vector<16xi32>
      %min3A_195 = arith.constant 600 : i32
      %min3A_196 = vector.broadcast %min3A_195 : i32 to vector<16xi32>
      %min3A_197 = arith.minsi %add3A_194, %min3A_196 : vector<16xi32>
      %sub3A_198 = arith.constant 1.000000e+00 : f32
      %sub3A_199 = vector.broadcast %sub3A_198 : f32 to vector<16xf32>
      %sub3A_200 = arith.subf %sub3A_199, %sub3A_191 : vector<16xf32>
      tpu.vector_store_idx %arg5[%add3A_175, %min3A_189], %sub3A_200 : memref<128x601xf32, #tpu.memory_space<vmem>>[vector<16xi32>, vector<16xi32>], vector<16xf32>,
      tpu.vector_store_idx %arg5[%add3A_175, %min3A_197], %sub3A_191 {add = true} : memref<128x601xf32, #tpu.memory_space<vmem>>[vector<16xi32>, vector<16xi32>], vector<16xf32>,
      %add3A_201 = arith.constant 96 : i32
      %add3A_202 = vector.broadcast %add3A_201 : i32 to vector<16xi32>
      %add3A_203 = arith.addi %add3A_202, %iota3A : vector<16xi32>
      %get3A_204 = arith.constant 0 : i32
      %get3A_205 = arith.index_cast %get3A_204 : i32 to index
      %get3A_206 = arith.constant 96 : index
      %get3A_207 = tpu.vector_load %arg4[%get3A_205, %get3A_206] {strides = array<i32>} : memref<1x128xf32, #tpu.memory_space<vmem>>, vector<16xf32>,
      %add3A_208 = arith.constant 3.000000e+02 : f32
      %add3A_209 = vector.broadcast %add3A_208 : f32 to vector<16xf32>
      %add3A_210 = arith.addf %get3A_207, %add3A_209 : vector<16xf32>
      %convert_element_type3A_211 = arith.fptosi %add3A_210 : vector<16xf32> to vector<16xi32>
      %jit3A_212 = arith.constant 0 : i32
      %jit3A_213 = arith.constant 600 : i32
      %max3A_214 = vector.broadcast %jit3A_212 : i32 to vector<16xi32>
      %max3A_215 = arith.maxsi %max3A_214, %convert_element_type3A_211 : vector<16xi32>
      %min3A_216 = vector.broadcast %jit3A_213 : i32 to vector<16xi32>
      %min3A_217 = arith.minsi %min3A_216, %max3A_215 : vector<16xi32>
      %convert_element_type3A_218 = arith.sitofp %min3A_217 : vector<16xi32> to vector<16xf32>
      %sub3A_219 = arith.subf %add3A_210, %convert_element_type3A_218 : vector<16xf32>
      %add3A_220 = arith.constant 1 : i32
      %add3A_221 = vector.broadcast %add3A_220 : i32 to vector<16xi32>
      %add3A_222 = arith.addi %min3A_217, %add3A_221 : vector<16xi32>
      %min3A_223 = arith.constant 600 : i32
      %min3A_224 = vector.broadcast %min3A_223 : i32 to vector<16xi32>
      %min3A_225 = arith.minsi %add3A_222, %min3A_224 : vector<16xi32>
      %sub3A_226 = arith.constant 1.000000e+00 : f32
      %sub3A_227 = vector.broadcast %sub3A_226 : f32 to vector<16xf32>
      %sub3A_228 = arith.subf %sub3A_227, %sub3A_219 : vector<16xf32>
      tpu.vector_store_idx %arg5[%add3A_203, %min3A_217], %sub3A_228 : memref<128x601xf32, #tpu.memory_space<vmem>>[vector<16xi32>, vector<16xi32>], vector<16xf32>,
      tpu.vector_store_idx %arg5[%add3A_203, %min3A_225], %sub3A_219 {add = true} : memref<128x601xf32, #tpu.memory_space<vmem>>[vector<16xi32>, vector<16xi32>], vector<16xf32>,
      %add3A_229 = arith.constant 112 : i32
      %add3A_230 = vector.broadcast %add3A_229 : i32 to vector<16xi32>
      %add3A_231 = arith.addi %add3A_230, %iota3A : vector<16xi32>
      %get3A_232 = arith.constant 0 : i32
      %get3A_233 = arith.index_cast %get3A_232 : i32 to index
      %get3A_234 = arith.constant 112 : index
      %get3A_235 = tpu.vector_load %arg4[%get3A_233, %get3A_234] {strides = array<i32>} : memref<1x128xf32, #tpu.memory_space<vmem>>, vector<16xf32>,
      %add3A_236 = arith.constant 3.000000e+02 : f32
      %add3A_237 = vector.broadcast %add3A_236 : f32 to vector<16xf32>
      %add3A_238 = arith.addf %get3A_235, %add3A_237 : vector<16xf32>
      %convert_element_type3A_239 = arith.fptosi %add3A_238 : vector<16xf32> to vector<16xi32>
      %jit3A_240 = arith.constant 0 : i32
      %jit3A_241 = arith.constant 600 : i32
      %max3A_242 = vector.broadcast %jit3A_240 : i32 to vector<16xi32>
      %max3A_243 = arith.maxsi %max3A_242, %convert_element_type3A_239 : vector<16xi32>
      %min3A_244 = vector.broadcast %jit3A_241 : i32 to vector<16xi32>
      %min3A_245 = arith.minsi %min3A_244, %max3A_243 : vector<16xi32>
      %convert_element_type3A_246 = arith.sitofp %min3A_245 : vector<16xi32> to vector<16xf32>
      %sub3A_247 = arith.subf %add3A_238, %convert_element_type3A_246 : vector<16xf32>
      %add3A_248 = arith.constant 1 : i32
      %add3A_249 = vector.broadcast %add3A_248 : i32 to vector<16xi32>
      %add3A_250 = arith.addi %min3A_245, %add3A_249 : vector<16xi32>
      %min3A_251 = arith.constant 600 : i32
      %min3A_252 = vector.broadcast %min3A_251 : i32 to vector<16xi32>
      %min3A_253 = arith.minsi %add3A_250, %min3A_252 : vector<16xi32>
      %sub3A_254 = arith.constant 1.000000e+00 : f32
      %sub3A_255 = vector.broadcast %sub3A_254 : f32 to vector<16xf32>
      %sub3A_256 = arith.subf %sub3A_255, %sub3A_247 : vector<16xf32>
      tpu.vector_store_idx %arg5[%add3A_231, %min3A_245], %sub3A_256 : memref<128x601xf32, #tpu.memory_space<vmem>>[vector<16xi32>, vector<16xi32>], vector<16xf32>,
      tpu.vector_store_idx %arg5[%add3A_231, %min3A_253], %sub3A_247 {add = true} : memref<128x601xf32, #tpu.memory_space<vmem>>[vector<16xi32>, vector<16xi32>], vector<16xf32>,
      %mul3A_257 = arith.constant 128 : i32
      %mul3A_258 = arith.muli %scan3A_17, %mul3A_257 : i32
      %add3A_259 = arith.addi %mul3A_2, %mul3A_258 : i32
      "tpu.region"() ({
        %run_scoped3A = tpu.sem_alloc : memref<!tpu.dma_semaphore, #tpu.memory_space<semaphore_mem>>
        %dma_start3A = arith.constant 0 : i32
        %dma_start3A_260 = tpu.memref_slice %arg3[%add3A_259, %dma_start3A] : memref<16384x601xf32, #tpu.memory_space<hbm>> -> memref<128x601xf32, #tpu.memory_space<hbm>>
        %dma_start3A_261 = arith.constant 0 : i32
        %dma_start3A_262 = tpu.memref_slice %arg3[%add3A_259, %dma_start3A_261] : memref<16384x601xf32, #tpu.memory_space<hbm>> -> memref<128x601xf32, #tpu.memory_space<hbm>>
        tpu.enqueue_dma source(%arg5 : memref<128x601xf32, #tpu.memory_space<vmem>>) target(%dma_start3A_262 : memref<128x601xf32, #tpu.memory_space<hbm>>) target_semaphore(%run_scoped3A : memref<!tpu.dma_semaphore, #tpu.memory_space<semaphore_mem>>)
        %dma_wait3A = arith.constant 0 : i32
        %dma_wait3A_263 = tpu.memref_slice %arg3[%add3A_259, %dma_wait3A] : memref<16384x601xf32, #tpu.memory_space<hbm>> -> memref<128x601xf32, #tpu.memory_space<hbm>>
        %dma_wait3A_264 = arith.constant 0 : i32
        %dma_wait3A_265 = tpu.memref_slice %arg3[%add3A_259, %dma_wait3A_264] : memref<16384x601xf32, #tpu.memory_space<hbm>> -> memref<128x601xf32, #tpu.memory_space<hbm>>
        tpu.wait_dma2 semaphore(%run_scoped3A : memref<!tpu.dma_semaphore, #tpu.memory_space<semaphore_mem>>) src(%arg5 : memref<128x601xf32, #tpu.memory_space<vmem>>) dst(%dma_wait3A_265 : memref<128x601xf32, #tpu.memory_space<hbm>>)
        tpu.yield
      }) : () -> ()
      tpu.vector_store_idx %arg5[%add3A_39, %min3A_49], %broadcast_in_dim3A_3 : memref<128x601xf32, #tpu.memory_space<vmem>>[vector<16xi32>, vector<16xi32>], vector<16xf32>,
      tpu.vector_store_idx %arg5[%add3A_39, %min3A_57], %broadcast_in_dim3A_3 : memref<128x601xf32, #tpu.memory_space<vmem>>[vector<16xi32>, vector<16xi32>], vector<16xf32>,
      tpu.vector_store_idx %arg5[%add3A_63, %min3A_77], %broadcast_in_dim3A_3 : memref<128x601xf32, #tpu.memory_space<vmem>>[vector<16xi32>, vector<16xi32>], vector<16xf32>,
      tpu.vector_store_idx %arg5[%add3A_63, %min3A_85], %broadcast_in_dim3A_3 : memref<128x601xf32, #tpu.memory_space<vmem>>[vector<16xi32>, vector<16xi32>], vector<16xf32>,
      tpu.vector_store_idx %arg5[%add3A_91, %min3A_105], %broadcast_in_dim3A_3 : memref<128x601xf32, #tpu.memory_space<vmem>>[vector<16xi32>, vector<16xi32>], vector<16xf32>,
      tpu.vector_store_idx %arg5[%add3A_91, %min3A_113], %broadcast_in_dim3A_3 : memref<128x601xf32, #tpu.memory_space<vmem>>[vector<16xi32>, vector<16xi32>], vector<16xf32>,
      tpu.vector_store_idx %arg5[%add3A_119, %min3A_133], %broadcast_in_dim3A_3 : memref<128x601xf32, #tpu.memory_space<vmem>>[vector<16xi32>, vector<16xi32>], vector<16xf32>,
      tpu.vector_store_idx %arg5[%add3A_119, %min3A_141], %broadcast_in_dim3A_3 : memref<128x601xf32, #tpu.memory_space<vmem>>[vector<16xi32>, vector<16xi32>], vector<16xf32>,
      tpu.vector_store_idx %arg5[%add3A_147, %min3A_161], %broadcast_in_dim3A_3 : memref<128x601xf32, #tpu.memory_space<vmem>>[vector<16xi32>, vector<16xi32>], vector<16xf32>,
      tpu.vector_store_idx %arg5[%add3A_147, %min3A_169], %broadcast_in_dim3A_3 : memref<128x601xf32, #tpu.memory_space<vmem>>[vector<16xi32>, vector<16xi32>], vector<16xf32>,
      tpu.vector_store_idx %arg5[%add3A_175, %min3A_189], %broadcast_in_dim3A_3 : memref<128x601xf32, #tpu.memory_space<vmem>>[vector<16xi32>, vector<16xi32>], vector<16xf32>,
      tpu.vector_store_idx %arg5[%add3A_175, %min3A_197], %broadcast_in_dim3A_3 : memref<128x601xf32, #tpu.memory_space<vmem>>[vector<16xi32>, vector<16xi32>], vector<16xf32>,
      tpu.vector_store_idx %arg5[%add3A_203, %min3A_217], %broadcast_in_dim3A_3 : memref<128x601xf32, #tpu.memory_space<vmem>>[vector<16xi32>, vector<16xi32>], vector<16xf32>,
      tpu.vector_store_idx %arg5[%add3A_203, %min3A_225], %broadcast_in_dim3A_3 : memref<128x601xf32, #tpu.memory_space<vmem>>[vector<16xi32>, vector<16xi32>], vector<16xf32>,
      tpu.vector_store_idx %arg5[%add3A_231, %min3A_245], %broadcast_in_dim3A_3 : memref<128x601xf32, #tpu.memory_space<vmem>>[vector<16xi32>, vector<16xi32>], vector<16xf32>,
      tpu.vector_store_idx %arg5[%add3A_231, %min3A_253], %broadcast_in_dim3A_3 : memref<128x601xf32, #tpu.memory_space<vmem>>[vector<16xi32>, vector<16xi32>], vector<16xf32>,
    }
    %scan3A_16 = arith.constant 4 : i32
    return
  }
}

module attributes {stable_mosaic.version = 14 : i64} {
  func.func @_row_scalar_block(%arg0: i32, %arg1: memref<4096x601xf32, #tpu.memory_space<vmem>>, %arg2: memref<32x128xf32, #tpu.memory_space<vmem>>) attributes {dimension_semantics = [#tpu.dimension_semantics<arbitrary>], iteration_bounds = array<i64: 4>, scalar_prefetch = 0 : i64, scratch_operands = 0 : i64, tpu.core_type = #tpu.core_type<tc>, window_params = [{transform_indices = @transform_0, window_bounds = array<i64: 4096, 601>}, {transform_indices = @transform_1, window_bounds = array<i64: 32, 128>}]} {
    %get3A = arith.constant 0 : index
    %get3A_0 = arith.constant 0 : index
    %get3A_1 = vector.load %arg1[%get3A, %get3A_0] : memref<4096x601xf32, #tpu.memory_space<vmem>>, vector<4096x601xf32>
    %iota3A = tpu.iota {dimensions = array<i32: 1>} : vector<4096x601xi32>
    %convert_element_type3A = arith.sitofp %iota3A : vector<4096x601xi32> to vector<4096x601xf32>
    %sub3A = arith.constant 3.000000e+02 : f32
    %sub3A_2 = vector.broadcast %sub3A : f32 to vector<4096x601xf32>
    %sub3A_3 = arith.subf %convert_element_type3A, %sub3A_2 : vector<4096x601xf32>
    %reduce_max3A = arith.constant dense<0xFF800000> : vector<4096xf32>
    %reduce_max3A_4 = vector.multi_reduction <maximumf>, %get3A_1, %reduce_max3A [1] : vector<4096x601xf32> to vector<4096xf32>
    %broadcast_in_dim3A = vector.shape_cast %reduce_max3A_4 : vector<4096xf32> to vector<4096x1xf32>
    %sub3A_5 = vector.broadcast %broadcast_in_dim3A : vector<4096x1xf32> to vector<4096x601xf32>
    %sub3A_6 = arith.subf %get3A_1, %sub3A_5 : vector<4096x601xf32>
    %exp3A = math.exp %sub3A_6 : vector<4096x601xf32>
    %mul3A = arith.mulf %exp3A, %sub3A_3 : vector<4096x601xf32>
    %reduce_sum3A = arith.constant dense<0.000000e+00> : vector<4096xf32>
    %reduce_sum3A_7 = vector.multi_reduction <add>, %mul3A, %reduce_sum3A [1] : vector<4096x601xf32> to vector<4096xf32>
    %broadcast_in_dim3A_8 = vector.shape_cast %reduce_sum3A_7 : vector<4096xf32> to vector<4096x1xf32>
    %reduce_sum3A_9 = arith.constant dense<0.000000e+00> : vector<4096xf32>
    %reduce_sum3A_10 = vector.multi_reduction <add>, %exp3A, %reduce_sum3A_9 [1] : vector<4096x601xf32> to vector<4096xf32>
    %broadcast_in_dim3A_11 = vector.shape_cast %reduce_sum3A_10 : vector<4096xf32> to vector<4096x1xf32>
    %div3A = arith.divf %broadcast_in_dim3A_8, %broadcast_in_dim3A_11 : vector<4096x1xf32>
    %sign3A = tpu.bitcast %div3A : vector<4096x1xf32> -> vector<4096x1xi32>
    %sign3A_12 = arith.constant -2147483648 : i32
    %sign3A_13 = vector.broadcast %sign3A_12 : i32 to vector<4096x1xi32>
    %sign3A_14 = arith.andi %sign3A, %sign3A_13 : vector<4096x1xi32>
    %sign3A_15 = arith.constant 1065353216 : i32
    %sign3A_16 = vector.broadcast %sign3A_15 : i32 to vector<4096x1xi32>
    %sign3A_17 = arith.ori %sign3A_16, %sign3A_14 : vector<4096x1xi32>
    %sign3A_18 = tpu.bitcast %sign3A_17 : vector<4096x1xi32> -> vector<4096x1xf32>
    %sign3A_19 = math.absf %div3A : vector<4096x1xf32>
    %sign3A_20 = arith.constant 0.000000e+00 : f32
    %sign3A_21 = vector.broadcast %sign3A_20 : f32 to vector<4096x1xf32>
    %sign3A_22 = arith.cmpf ogt, %sign3A_19, %sign3A_21 : vector<4096x1xf32>
    %sign3A_23 = arith.select %sign3A_22, %sign3A_18, %div3A : vector<4096x1xi1>, vector<4096x1xf32>
    %abs3A = math.absf %div3A : vector<4096x1xf32>
    %add3A = arith.constant 1.000000e+00 : f32
    %add3A_24 = vector.broadcast %add3A : f32 to vector<4096x1xf32>
    %add3A_25 = arith.addf %abs3A, %add3A_24 : vector<4096x1xf32>
    %add3A_26 = arith.constant 1.000000e-03 : f32
    %add3A_27 = vector.broadcast %add3A_26 : f32 to vector<4096x1xf32>
    %add3A_28 = arith.addf %add3A_25, %add3A_27 : vector<4096x1xf32>
    %mul3A_29 = arith.constant 4.000000e-03 : f32
    %mul3A_30 = vector.broadcast %mul3A_29 : f32 to vector<4096x1xf32>
    %mul3A_31 = arith.mulf %mul3A_30, %add3A_28 : vector<4096x1xf32>
    %add3A_32 = arith.constant 1.000000e+00 : f32
    %add3A_33 = vector.broadcast %add3A_32 : f32 to vector<4096x1xf32>
    %add3A_34 = arith.addf %add3A_33, %mul3A_31 : vector<4096x1xf32>
    %sqrt3A = math.sqrt %add3A_34 : vector<4096x1xf32>
    %sub3A_35 = arith.constant 1.000000e+00 : f32
    %sub3A_36 = vector.broadcast %sub3A_35 : f32 to vector<4096x1xf32>
    %sub3A_37 = arith.subf %sqrt3A, %sub3A_36 : vector<4096x1xf32>
    %div3A_38 = arith.constant 2.000000e-03 : f32
    %div3A_39 = vector.broadcast %div3A_38 : f32 to vector<4096x1xf32>
    %div3A_40 = arith.divf %sub3A_37, %div3A_39 : vector<4096x1xf32>
    %integer_pow3A = arith.mulf %div3A_40, %div3A_40 : vector<4096x1xf32>
    %sub3A_41 = arith.constant 1.000000e+00 : f32
    %sub3A_42 = vector.broadcast %sub3A_41 : f32 to vector<4096x1xf32>
    %sub3A_43 = arith.subf %integer_pow3A, %sub3A_42 : vector<4096x1xf32>
    %mul3A_44 = arith.mulf %sign3A_23, %sub3A_43 : vector<4096x1xf32>
    %sign3A_45 = tpu.bitcast %mul3A_44 : vector<4096x1xf32> -> vector<4096x1xi32>
    %sign3A_46 = arith.constant -2147483648 : i32
    %sign3A_47 = vector.broadcast %sign3A_46 : i32 to vector<4096x1xi32>
    %sign3A_48 = arith.andi %sign3A_45, %sign3A_47 : vector<4096x1xi32>
    %sign3A_49 = arith.constant 1065353216 : i32
    %sign3A_50 = vector.broadcast %sign3A_49 : i32 to vector<4096x1xi32>
    %sign3A_51 = arith.ori %sign3A_50, %sign3A_48 : vector<4096x1xi32>
    %sign3A_52 = tpu.bitcast %sign3A_51 : vector<4096x1xi32> -> vector<4096x1xf32>
    %sign3A_53 = math.absf %mul3A_44 : vector<4096x1xf32>
    %sign3A_54 = arith.constant 0.000000e+00 : f32
    %sign3A_55 = vector.broadcast %sign3A_54 : f32 to vector<4096x1xf32>
    %sign3A_56 = arith.cmpf ogt, %sign3A_53, %sign3A_55 : vector<4096x1xf32>
    %sign3A_57 = arith.select %sign3A_56, %sign3A_52, %mul3A_44 : vector<4096x1xi1>, vector<4096x1xf32>
    %abs3A_58 = math.absf %mul3A_44 : vector<4096x1xf32>
    %add3A_59 = arith.constant 1.000000e+00 : f32
    %add3A_60 = vector.broadcast %add3A_59 : f32 to vector<4096x1xf32>
    %add3A_61 = arith.addf %abs3A_58, %add3A_60 : vector<4096x1xf32>
    %sqrt3A_62 = math.sqrt %add3A_61 : vector<4096x1xf32>
    %sub3A_63 = arith.constant 1.000000e+00 : f32
    %sub3A_64 = vector.broadcast %sub3A_63 : f32 to vector<4096x1xf32>
    %sub3A_65 = arith.subf %sqrt3A_62, %sub3A_64 : vector<4096x1xf32>
    %mul3A_66 = arith.mulf %sign3A_57, %sub3A_65 : vector<4096x1xf32>
    %mul3A_67 = arith.constant 1.000000e-03 : f32
    %mul3A_68 = vector.broadcast %mul3A_67 : f32 to vector<4096x1xf32>
    %mul3A_69 = arith.mulf %mul3A_68, %mul3A_44 : vector<4096x1xf32>
    %add3A_70 = arith.addf %mul3A_66, %mul3A_69 : vector<4096x1xf32>
    %jit3A = arith.constant -3.000000e+02 : f32
    %jit3A_71 = arith.constant 3.000000e+02 : f32
    %max3A = vector.broadcast %jit3A : f32 to vector<4096x1xf32>
    %max3A_72 = arith.maximumf %max3A, %add3A_70 : vector<4096x1xf32>
    %min3A = vector.broadcast %jit3A_71 : f32 to vector<4096x1xf32>
    %min3A_73 = arith.minimumf %min3A, %max3A_72 : vector<4096x1xf32>
    %reshape3A = vector.shape_cast %min3A_73 : vector<4096x1xf32> to vector<32x128xf32>
    %swap3A = arith.constant 0 : index
    %swap3A_74 = arith.constant 0 : index
    %swap3A_75 = vector.load %arg2[%swap3A, %swap3A_74] : memref<32x128xf32, #tpu.memory_space<vmem>>, vector<32x128xf32>
    tpu.vector_store %arg2[%swap3A, %swap3A_74], %reshape3A {strides = array<i32>} : memref<32x128xf32, #tpu.memory_space<vmem>>, vector<32x128xf32>,
    return
  }
  func.func @transform_0(%arg0: i32) -> (i32, i32) {
    %c0_i32 = arith.constant 0 : i32
    %c0_i32_0 = arith.constant 0 : i32
    return %arg0, %c0_i32 : i32, i32
  }
  func.func @transform_1(%arg0: i32) -> (i32, i32) {
    %c0_i32 = arith.constant 0 : i32
    %c0_i32_0 = arith.constant 0 : i32
    return %arg0, %c0_i32 : i32, i32
  }
}

</mosaic_0001>

<sc_bundles>
// kernel: kernel.4.cloned.1.call-start
scs
__scs_entry_jumppad:
0x0: {  	(pc) =	sbr.rel $0x88, $3  }
0x1: {  	(tag) =	ssettag $0x0;
	lr =	simm.s32 $0x1  }
0x2: {  	[smem:$0x3FA0] =	sst lr;
	_ =	strace $0xD0000000  }
0x3: {  	_ = 	snop  }
0x4: {  	_ = 	snop  }
0x5: {  	_ = 	snop  }
0x6: {  	_ = 	snop  }
0x7: {  	_ = 	snop  }
__scs_overlays_trampoline_lowered:
0x8: {  	[smem:$0x3FAF] =	sst s0  }
0x9: {  	[smem:$0x3FB0] =	sst s1  }
0xa: {  	[smem:$0x3FB1] =	sst s2  }
0xb: {  	[smem:$0x3FB2] =	sst s3  }
0xc: {  	[smem:$0x3FB3] =	sst s4  }
0xd: {  	[smem:$0x3FB4] =	sst s5  }
0xe: {  	[smem:$0x3FB5] =	sst s6  }
0xf: {  	[smem:$0x3FB6] =	sst s7  }
0x10: {  	[smem:$0x3FB7] =	sst s8  }
0x11: {  	[smem:$0x3FB8] =	sst s9;
	s0 =	simm.s32 @!p0 $0x0  }
0x12: {  	s1 =	sld [smem:$0x3F9E];
	s0 =	simm.s32 @p0 $0x1  }
0x13: {  	[smem:$0x3FB9] =	sst s0;
	s0 =	simm.s32 @!p1 $0x0  }
0x14: {  	s2 =	sld [smem:$0x3F9D];
	s0 =	simm.s32 @p1 $0x1  }
0x15: {  	[smem:$0x3FBA] =	sst s0;
	s0 =	simm.s32 @!p2 $0x0  }
0x16: {  	s3 =	sld [smem:$0x3FDB];
	s0 =	simm.s32 @p2 $0x1  }
0x17: {  	s4 =	simm.s32 $0x1BF5;
	[smem:$0x3FBC] =	sst s0  }
0x18: {  	s0 =	sld [smem:$0x3F9F];
	_ =	swait.ge [sflag:s4], $0x0  }
0x19: {  	s7 =	sld [smem:$0x3FA0]  }
0x1a: {  	s8 =	sadd.s32 $0xFFFFE003, lr  }
0x1b: {  	s9 =	sadd.s32 $0xFFFFFEF7, lr;
	s5 =	simm.s32 $0xFFFFFFFF;
	p2 =	slt.u32 s8, $0xFFFFF086  }
0x1c: {  	p1 =	slt.u32 s9, $0xF7A;
	s5 =	simm.s32 @!p2 $0x0  }
0x1d: {  	s5 =	simm.s32 @p1 $0x1;
	p0 =	seq.s32 s7, s2  }
0x1e: {  	s7 =	smul.u32 @!p0 $0xF7A, s2;
	p2 =	seq.s32 @!p0 s5, $0x0  }
0x1f: {  	s9 =	smul.u32 $0xF7A, s1;
	s8 =	simm.s32 @!p0 $0x1BF5;
	p2 =	por !p2, p0  }
0x20: {  	[sflag:s8] =	ssyncset.s32 @!p0 $0xFFFFF086;
	s6 =	sadd.s32 @!p0 s3, s7;
	s7 =	simm.s32 @!p0 $0x108  }
0x21: {  	s3 =	sadd.s32 s3, s9;
	s6 =	sadd.s32 @!p0 $0x88, s6;
	s7 =	simm.s32 @p2 $0x1082  }
0x22: {  	[simem:s7], [sflag:s8] =	dma.local @!p0 [hbm:s6], $0xF7A  }
0x23: {  	s9 =	sor.u32 $0xD0000000, s2;
	s6 =	simm.s32 $0x108;
	_ =	swait.ge @!p0 [sflag:s8], $0x0  }
0x24: {  	s3 =	sadd.s32 $0x88, s3;
	s6 =	simm.s32 @!p1 $0x1082;
	[sflag:s4] =	ssyncset.s32 $0xFFFFF086  }
0x25: {  	[simem:s6], [sflag:s4] =	dma.local [hbm:s3], $0xF7A  }
0x26: {  	[smem:$0x3FA0] =	sst s1;
	(tag) =	ssettag s2;
	_ =	strace s9  }
0x27: {  	s1 =	sld [smem:$0x3FB0]  }
0x28: {  	s2 =	sld [smem:$0x3FB1]  }
0x29: {  	s4 =	sld [smem:$0x3FB3]  }
0x2a: {  	p0 =	seq.s32 s5, $0x0;
	s5 =	sld [smem:$0x3FB4]  }
0x2b: {  	s6 =	sld [smem:$0x3FB5]  }
0x2c: {  	s7 =	sld [smem:$0x3FB6]  }
0x2d: {  	s3 =	simm.s32 $0x108;
	s8 =	sld [smem:$0x3FB7]  }
0x2e: {  	s3 =	simm.s32 @!p0 $0x1082;
	s9 =	sld [smem:$0x3FB8]  }
0x2f: {  	lr =	sadd.s32 s0, s3;
	s0 =	sld [smem:$0x3FAF]  }
0x30: {  	s3 =	sld [smem:$0x3FB2]  }
0x31: {  	[smem:$0x3FBB] =	sst s10  }
0x32: {  	s10 =	sld [smem:$0x3FB9];
	_ =	sdelay $0x3  }
0x33: {  	p0 =	seq.s32 s10, $0x1;
	s10 =	sld [smem:$0x3FBB];
	_ =	sdelay $0x3  }
0x34: {  	[smem:$0x3FBB] =	sst s10  }
0x35: {  	s10 =	sld [smem:$0x3FBA];
	_ =	sdelay $0x3  }
0x36: {  	p1 =	seq.s32 s10, $0x1;
	s10 =	sld [smem:$0x3FBB];
	_ =	sdelay $0x3  }
0x37: {  	[smem:$0x3FBB] =	sst s10  }
0x38: {  	s10 =	sld [smem:$0x3FBC]  }
0x39: {  	_ = 	snop;
	(pc) =	sbr.ind lr, $3  }
0x3a: {  	_ = 	snop  }
0x3b: {  	_ = 	snop  }
0x3c: {  	p2 =	seq.s32 s10, $0x1;
	s10 =	sld [smem:$0x3FBB]  }
0x3d: {  	_ =	shalt  }
0x3e: {  	_ =	shalt  }
0x3f: {  	_ =	shalt  }
0x40: {  	_ =	shalt  }
0x41: {  	_ =	shalt  }
0x42: {  	_ =	shalt  }
0x43: {  	_ =	shalt  }
0x44: {  	_ =	shalt  }
0x45: {  	_ =	shalt  }
0x46: {  	_ =	shalt  }
0x47: {  	_ =	shalt  }
0x48: {  	_ =	shalt  }
0x49: {  	_ =	shalt  }
0x4a: {  	_ =	shalt  }
0x4b: {  	_ =	shalt  }
0x4c: {  	_ =	shalt  }
0x4d: {  	_ =	shalt  }
0x4e: {  	_ =	shalt  }
0x4f: {  	_ =	shalt  }
0x50: {  	_ =	shalt  }
0x51: {  	_ =	shalt  }
0x52: {  	_ =	shalt  }
0x53: {  	_ =	shalt  }
0x54: {  	_ =	shalt  }
0x55: {  	_ =	shalt  }
0x56: {  	_ =	shalt  }
0x57: {  	_ =	shalt  }
0x58: {  	_ =	shalt  }
0x59: {  	_ =	shalt  }
0x5a: {  	_ =	shalt  }
0x5b: {  	_ =	shalt  }
0x5c: {  	_ =	shalt  }
0x5d: {  	_ =	shalt  }
0x5e: {  	_ =	shalt  }
0x5f: {  	_ =	shalt  }
0x60: {  	_ =	shalt  }
0x61: {  	_ =	shalt  }
0x62: {  	_ =	shalt  }
0x63: {  	_ =	shalt  }
0x64: {  	_ =	shalt  }
0x65: {  	_ =	shalt  }
0x66: {  	_ =	shalt  }
0x67: {  	_ =	shalt  }
0x68: {  	_ =	shalt  }
0x69: {  	_ =	shalt  }
0x6a: {  	_ =	shalt  }
0x6b: {  	_ =	shalt  }
0x6c: {  	_ =	shalt  }
0x6d: {  	_ =	shalt  }
0x6e: {  	_ =	shalt  }
0x6f: {  	_ =	shalt  }
0x70: {  	_ =	shalt  }
0x71: {  	_ =	shalt  }
0x72: {  	_ =	shalt  }
0x73: {  	_ =	shalt  }
0x74: {  	_ =	shalt  }
0x75: {  	_ =	shalt  }
0x76: {  	_ =	shalt  }
0x77: {  	_ =	shalt  }
0x78: {  	_ =	shalt  }
0x79: {  	_ =	shalt  }
0x7a: {  	_ =	shalt  }
0x7b: {  	_ =	shalt  }
0x7c: {  	_ =	shalt  }
0x7d: {  	_ =	shalt  }
0x7e: {  	_ =	shalt  }
0x7f: {  	_ =	shalt  }
0x80: {  	_ =	shalt  }
0x81: {  	_ =	shalt  }
0x82: {  	_ =	shalt  }
0x83: {  	_ =	shalt  }
0x84: {  	_ =	shalt  }
0x85: {  	_ =	shalt  }
0x86: {  	_ =	shalt  }
0x87: {  	_ =	shalt  }
.Lfunc_end0:
.L_simem_size_0:
called_computation_lowered:
.L_overlay_start_0:
0x88: {  	s2 =	sld [smem:$0x3FD9]  }
0x89: {  	s3 =	sld [smem:$0x3FFE];
	_ =	sdelay $0x1  }
0x8a: {  	s1 =	srdreg.scid  }
0x8b: {  	s0 =	sand.u32 $0x1, s1  }
0x8c: {  	s17 =	sshll.u32 s0, $0xA;
	s2 =	sadd.s32 s3, s2  }
0x8d: {  	s2 =	sadd.s32 s2, s17  }
0x8e: {  	[smem:$0x3FC7] =	sst s2  }
0x8f: {  	_ = 	snop  }
0x90: {  	s2 =	sld [smem:$0x3FD0];
	(tm) =	ssettm $0x1  }
0x91: {  	s18 =	sld [smem:$0x3FFB];
	_ =	sdelay $0x3  }
0x92: {  	_ =	strace s18  }
0x93: {  	s3 =	sld [smem:$0x3FFC];
	_ =	sdelay $0x3  }
0x94: {  	_ =	strace s3  }
0x95: {  	s3 =	sld [smem:$0x3FFD];
	_ =	sdelay $0x3  }
0x96: {  	_ =	strace s3  }
0x97: {  	_ =	strace $0x8FFFFFFF  }
0x98: {  	s19 =	sld [smem:$0x3FDB];
	_ =	sdelay $0x1  }
0x99: {  	s4 =	simm.s32 $_scs_section_size  }
0x9a: {  	s5 =	simm.s32 $_size__tile_overlayer_lowered;
	s6 =	simm.s32 $_tile_overlayer_lowered  }
0x9b: {  	s22 =	simm.s32 $0x1BFF;
	s21 =	sshll.u32 s6, $0x1;
	s3 =	sadd.s32 s4, s19  }
0x9c: {  	s7 =	simm.s32 $0x0;
	s20 =	sshll.u32 s5, $0x1;
	s5 =	sadd.s32 s21, s3  }
0x9d: {  	[timem:s7], [sflag:s22] =	dma.local [hbm:s5], s20  }
0x9e: {  	_ =	swait.ge [sflag:s22], s20  }
0x9f: {  	s4 =	ssub.s32 $0x0, s20;
	[sflag:s22] =	ssyncset.done $0x0  }
0xa0: {  	[sflag:s22] =	ssyncadd.s32 s4;
	_ =	sdelay $0x1  }
0xa1: {  	s23 =	simm.s32 $0x1B8B  }
0xa2: {  	_ =	swait.ge [sflag:s23], $0x1  }
0xa3: {  	[sflag:s23] =	ssyncset.done $0x0  }
0xa4: {  	s25 =	simm.s32 $0x1B8E;
	s24 =	sld [smem:$0x3FFE];
	[sflag:s23] =	ssyncadd.s32 $0xFFFFFFFF  }
0xa5: {  	s26 =	simm.s32 $execute0_lowered;
	[smem:$0x3FD2] =	sst s25  }
0xa6: {  	s5 =	sshll.u32 s26, $0x1;
	_ =	strace $0x80000046;
	[dreg:$0x1] =	wrdreg $0xFFFFFFFF  }
0xa7: {  	s28 =	simm.s32 $_size_execute0_lowered;
	s3 =	sadd.s32 s3, s5;
	[dreg:$0x0] =	wrdreg $0x0  }
0xa8: {  	s5 =	sshll.u32 s28, $0x1;
	[dreg:$0x2] =	wrdreg s3  }
0xa9: {  	[dreg:$0x3] =	wrdreg s5  }
0xaa: {  	[dreg:$0x4] =	wrdreg $0xC0  }
0xab: {  	_ =	task [dreg:s7], $0x5FFFF  }
0xac: {  	[dreg:$0x1] =	wrdreg $0xFFFFFFFF  }
0xad: {  	[dreg:$0x0] =	wrdreg $0x60  }
0xae: {  	[dreg:$0x2] =	wrdreg s2  }
0xaf: {  	[dreg:$0x3] =	wrdreg s24  }
0xb0: {  	[dreg:$0x4] =	wrdreg $0x9  }
0xb1: {  	_ =	task.clear_ibuf [dreg:s7], $0x5FFFF;
	_ =	strace $0x90000046  }
0xb2: {  	s29 =	simm.s32 $0x9;
	_ =	strace $0x80000048  }
0xb3: {  	_ =	swait.ge [sflag:s29], $0x1  }
0xb4: {  	[sflag:s29] =	ssyncadd.s32 $0xFFFFFFFF  }
0xb5: {  	_ =	strace $0x90000048  }
0xb6: {  	_ =	sfence  }
0xb7: {  	s30 =	sld [smem:$0x0];
	_ =	sdelay $0x2  }
0xb8: {  	s31 =	sshll.u32 s1, $0xD;
	s1 =	sshrl.u32 s1, $0x2  }
0xb9: {  	s3 =	sand.u32 $0x4000, s31;
	s1 =	sadd.s32 s1, s30  }
0xba: {  	s0 =	sor.u32 s3, s0;
	s1 =	sshll.u32 s1, $0x11  }
0xbb: {  	s0 =	sor.u32 s1, s0  }
0xbc: {  	s0 =	sadd.s32 $0x8F2B, s0  }
0xbd: {  	[sflag:s0] =	ssyncadd.remote.s32 $0x1  }
0xbe: {  	_ =	sfence.sel $0xFFFF  }
0xbf: {  	[dreg:$0x0] =	wrdreg $0xFFFFFFFF;
	(pc) =	sbr.abs _section_cstart, $3  }
0xc0: {  	[dreg:$0x1] =	wrdreg $0xFFFFFFFF  }
0xc1: {  	_ =	task.clear_ibuf [dreg:s7], $0x2FFFF;
	_ =	strace $0x9FFFFFFF  }
0xc2: {  	(tm) =	ssettm $0x7FFFFFFF  }
0xc3: {  	_ =	shalt  }
tec
execute0_lowered:
.L_overlay_start_1:
0x0: {  	(tag) =	ssettag $0x1  }
0x1: {  	v0 =	vimm.s32 $0x1780;
	vm11 =	vcmask $0x300;
	v1 =	vimm.s32 $0x3F80  }
0x2: {  	vm12 =	vcmask $0x704;
	vm13 =	vcmask $0xB08;
	vm14 =	vcmask $0xF0C  }
0x3: {  	vm10 =	vcmask $0x1310;
	vm9 =	vcmask $0x1714;
	vm8 =	vcmask $0x1B18  }
0x4: {  	vm7 =	vcmask $0x1F1C;
	vm6 =	vcmask $0x2320;
	vm5 =	vcmask $0x2724  }
0x5: {  	vm4 =	vcmask $0x2B28;
	vm3 =	vcmask $0x2F2C;
	vm2 =	vcmask $0x3330  }
0x6: {  	vm1 =	vcmask $0x3734;
	vm0 =	vcmask $0x3B38;
	v4 =	vimm.s32 $0x8F80  }
0x7: {  	v5 =	vimm.s32 $0xB780;
	v6 =	vimm.s32 $0xDF80;
	v7 =	vimm.s32 $0x10780  }
0x8: {  	v8 =	vimm.s32 $0x12F80;
	v0 =	vsel vm11, $0x0, v0;
	v1 =	vsel vm11, $0x2800, v1  }
0x9: {  	v4 =	vsel vm11, $0x7800, v4;
	v5 =	vsel vm11, $0xA000, v5;
	v6 =	vsel vm11, $0xC800, v6  }
0xa: {  	v7 =	vsel vm11, $0xF000, v7;
	v8 =	vsel vm11, $0x11800, v8;
	v0 =	vsel vm12, $0x80, v0  }
0xb: {  	v1 =	vsel vm12, $0x2880, v1;
	v4 =	vsel vm12, $0x7880, v4;
	v5 =	vsel vm12, $0xA080, v5  }
0xc: {  	v6 =	vsel vm12, $0xC880, v6;
	v7 =	vsel vm12, $0xF080, v7;
	v8 =	vsel vm12, $0x11880, v8  }
0xd: {  	v0 =	vsel vm13, $0x100, v0;
	v1 =	vsel vm13, $0x2900, v1;
	v4 =	vsel vm13, $0x7900, v4  }
0xe: {  	v5 =	vsel vm13, $0xA100, v5;
	v6 =	vsel vm13, $0xC900, v6;
	v7 =	vsel vm13, $0xF100, v7  }
0xf: {  	v8 =	vsel vm13, $0x11900, v8;
	v0 =	vsel vm14, $0x180, v0;
	v1 =	vsel vm14, $0x2980, v1  }
0x10: {  	v4 =	vsel vm14, $0x7980, v4;
	v5 =	vsel vm14, $0xA180, v5;
	v6 =	vsel vm14, $0xC980, v6  }
0x11: {  	v7 =	vsel vm14, $0xF180, v7;
	v8 =	vsel vm14, $0x11980, v8;
	v0 =	vsel vm10, $0x200, v0  }
0x12: {  	v1 =	vsel vm10, $0x2A00, v1;
	v4 =	vsel vm10, $0x7A00, v4;
	v5 =	vsel vm10, $0xA200, v5  }
0x13: {  	v6 =	vsel vm10, $0xCA00, v6;
	v7 =	vsel vm10, $0xF200, v7;
	v8 =	vsel vm10, $0x11A00, v8  }
0x14: {  	v0 =	vsel vm9, $0x280, v0;
	v1 =	vsel vm9, $0x2A80, v1;
	v4 =	vsel vm9, $0x7A80, v4  }
0x15: {  	v5 =	vsel vm9, $0xA280, v5;
	v6 =	vsel vm9, $0xCA80, v6;
	v7 =	vsel vm9, $0xF280, v7  }
0x16: {  	v8 =	vsel vm9, $0x11A80, v8;
	v0 =	vsel vm8, $0x300, v0;
	v1 =	vsel vm8, $0x2B00, v1  }
0x17: {  	v4 =	vsel vm8, $0x7B00, v4;
	v5 =	vsel vm8, $0xA300, v5;
	v6 =	vsel vm8, $0xCB00, v6  }
0x18: {  	v7 =	vsel vm8, $0xF300, v7;
	v8 =	vsel vm8, $0x11B00, v8;
	v0 =	vsel vm7, $0x380, v0  }
0x19: {  	v1 =	vsel vm7, $0x2B80, v1;
	v4 =	vsel vm7, $0x7B80, v4;
	v5 =	vsel vm7, $0xA380, v5  }
0x1a: {  	v6 =	vsel vm7, $0xCB80, v6;
	v7 =	vsel vm7, $0xF380, v7;
	v8 =	vsel vm7, $0x11B80, v8  }
0x1b: {  	v0 =	vsel vm6, $0x1400, v0;
	v1 =	vsel vm6, $0x3C00, v1;
	v4 =	vsel vm6, $0x8C00, v4  }
0x1c: {  	v5 =	vsel vm6, $0xB400, v5;
	v0 =	vsel vm5, $0x1480, v0;
	v1 =	vsel vm5, $0x3C80, v1  }
0x1d: {  	v6 =	vsel vm6, $0xDC00, v6;
	v0 =	vsel vm4, $0x1500, v0;
	v1 =	vsel vm4, $0x3D00, v1  }
0x1e: {  	v7 =	vsel vm6, $0x10400, v7;
	v0 =	vsel vm3, $0x1580, v0;
	v1 =	vsel vm3, $0x3D80, v1  }
0x1f: {  	v8 =	vsel vm6, $0x12C00, v8;
	v0 =	vsel vm2, $0x1600, v0;
	v1 =	vsel vm2, $0x3E00, v1  }
0x20: {  	v4 =	vsel vm5, $0x8C80, v4;
	v2 =	vsel vm1, $0x1680, v0;
	v3 =	vsel vm1, $0x3E80, v1  }
0x21: {  	v1 =	vsel vm0, $0x1700, v2;
	v2 =	vsel vm0, $0x3F00, v3;
	v3 =	vimm.s32 $0x6780  }
0x22: {  	v5 =	vsel vm5, $0xB480, v5;
	v6 =	vsel vm5, $0xDC80, v6;
	v3 =	vsel vm11, $0x5000, v3  }
0x23: {  	v7 =	vsel vm5, $0x10480, v7;
	v8 =	vsel vm5, $0x12C80, v8;
	v3 =	vsel vm12, $0x5080, v3  }
0x24: {  	v4 =	vsel vm4, $0x8D00, v4;
	v5 =	vsel vm4, $0xB500, v5;
	v3 =	vsel vm13, $0x5100, v3  }
0x25: {  	v6 =	vsel vm4, $0xDD00, v6;
	v7 =	vsel vm4, $0x10500, v7;
	v3 =	vsel vm14, $0x5180, v3  }
0x26: {  	v8 =	vsel vm4, $0x12D00, v8;
	v4 =	vsel vm3, $0x8D80, v4;
	v3 =	vsel vm10, $0x5200, v3  }
0x27: {  	s3 =	rddreg [dreg:$0x0];
	v5 =	vsel vm3, $0xB580, v5;
	v6 =	vsel vm3, $0xDD80, v6;
	v3 =	vsel vm9, $0x5280, v3  }
0x28: {  	s4 =	rddreg [dreg:$0x1];
	v7 =	vsel vm3, $0x10580, v7;
	v8 =	vsel vm3, $0x12D80, v8;
	v3 =	vsel vm8, $0x5300, v3  }
0x29: {  	s0 =	rddreg [dreg:$0x2];
	s1 =	stileid.u32;
	v4 =	vsel vm2, $0x8E00, v4;
	v5 =	vsel vm2, $0xB600, v5;
	v3 =	vsel vm7, $0x5380, v3  }
0x2a: {  	s5 =	srdreg.scid;
	s2 =	simm.s32 $0x0;
	s6 =	smul.u32 $0x14000, s1;
	v6 =	vsel vm2, $0xDE00, v6;
	v7 =	vsel vm2, $0x10600, v7;
	v3 =	vsel vm6, $0x6400, v3  }
0x2b: {  	s5 =	sand.u32 $0x1, s5;
	[smem:$0x7FF] =	sst s2;
	s31 =	sshll.u32 s1, $0x7;
	v8 =	vsel vm2, $0x12E00, v8;
	v0 =	vimm.f32 $0.0e+00;
	v3 =	vsel vm5, $0x6480, v3  }
0x2c: {  	s7 =	ssub.s32 $0x2, s5;
	s8 =	smul.u32 $0xA000, s5;
	_ =	strace $0x80000047;
	v4 =	vsel vm1, $0x8E80, v4;
	v5 =	vsel vm1, $0xB680, v5;
	v3 =	vsel vm4, $0x6500, v3  }
0x2d: {  	s5 =	sshll.u32 s5, $0x6;
	s4 =	sadd.s32 s6, s4;
	s30 =	sshrl.u32 s7, $0x1;
	v6 =	vsel vm1, $0xDE80, v6;
	v7 =	vsel vm1, $0x10680, v7;
	v3 =	vsel vm3, $0x6580, v3  }
0x2e: {  	s6 =	ssub.s32 s7, s30;
	s4 =	sadd.s32 s8, s4;
	s7 =	sadd.s32 s31, s3;
	v8 =	vsel vm1, $0x12E80, v8;
	v4 =	vsel vm0, $0x8F00, v4;
	v3 =	vsel vm2, $0x6600, v3  }
0x2f: {  	s8 =	simm.s32 $0x0;
	s3 =	smax.u32 s6, $0x1;
	s4 =	sadd.s32 $0x600, s4;
	v5 =	vsel vm0, $0xB700, v5;
	v6 =	vsel vm0, $0xDF00, v6;
	v3 =	vsel vm1, $0x6680, v3  }
0x30: {  	s5 =	sadd.s32 s5, s7;
	s6 =	simm.s32 $0x1;
	s7 =	simm.s32 $0x80;
	v7 =	vsel vm0, $0x10700, v7;
	v8 =	vsel vm0, $0x12F00, v8;
	v3 =	vsel vm0, $0x6700, v3  }
.LBB2_1:
0x31: {  	s9 =	simm.s32 $0x0  }
0x32: {  	s9 =	smul.u32 $0x5000, s9;
	_ =	sdelay $0x1  }
0x33: {  	s10 =	sand.u32 $0x380, s2;
	s9 =	sshra.s32 s9, $0x2  }
0x34: {  	s9 =	sor.u32 s10, s9  }
0x35: {  	[tilespmem:s9+$0x10C0] =	vst v0  }
0x36: {  	[tilespmem:s9+$0x80] =	vst v0  }
0x37: {  	[tilespmem:s9+$0x90] =	vst v0  }
0x38: {  	[tilespmem:s9+$0xA0] =	vst v0  }
0x39: {  	[tilespmem:s9+$0xB0] =	vst v0  }
0x3a: {  	[tilespmem:s9+$0xC0] =	vst v0  }
0x3b: {  	[tilespmem:s9+$0xD0] =	vst v0  }
0x3c: {  	[tilespmem:s9+$0xE0] =	vst v0  }
0x3d: {  	[tilespmem:s9+$0xF0] =	vst v0  }
0x3e: {  	[tilespmem:s9+$0x480] =	vst v0  }
0x3f: {  	[tilespmem:s9+$0x490] =	vst v0  }
0x40: {  	[tilespmem:s9+$0x4A0] =	vst v0  }
0x41: {  	[tilespmem:s9+$0x4B0] =	vst v0  }
0x42: {  	[tilespmem:s9+$0x4C0] =	vst v0  }
0x43: {  	[tilespmem:s9+$0x4D0] =	vst v0  }
0x44: {  	[tilespmem:s9+$0x4E0] =	vst v0  }
0x45: {  	[tilespmem:s9+$0x4F0] =	vst v0  }
0x46: {  	[tilespmem:s9+$0x880] =	vst v0  }
0x47: {  	[tilespmem:s9+$0x890] =	vst v0  }
0x48: {  	[tilespmem:s9+$0x8A0] =	vst v0  }
0x49: {  	[tilespmem:s9+$0x8B0] =	vst v0  }
0x4a: {  	[tilespmem:s9+$0x8C0] =	vst v0  }
0x4b: {  	[tilespmem:s9+$0x8D0] =	vst v0  }
0x4c: {  	[tilespmem:s9+$0x8E0] =	vst v0  }
0x4d: {  	[tilespmem:s9+$0x8F0] =	vst v0  }
0x4e: {  	[tilespmem:s9+$0xC80] =	vst v0  }
0x4f: {  	[tilespmem:s9+$0xC90] =	vst v0  }
0x50: {  	[tilespmem:s9+$0xCA0] =	vst v0  }
0x51: {  	[tilespmem:s9+$0xCB0] =	vst v0  }
0x52: {  	[tilespmem:s9+$0xCC0] =	vst v0  }
0x53: {  	[tilespmem:s9+$0xCD0] =	vst v0  }
0x54: {  	[tilespmem:s9+$0xCE0] =	vst v0  }
0x55: {  	[tilespmem:s9+$0xCF0] =	vst v0  }
0x56: {  	s31 =	simm.s32 $0x0;
	[tilespmem:s9+$0x1080] =	vst v0  }
0x57: {  	s11 =	simm.s32 $0x2;
	s12 =	smul.u32 $0x5000, s31;
	s10 =	simm.s32 $0x0;
	[tilespmem:s9+$0x10C9] =	vst v0  }
.LBB2_2:
0x58: {  	p0 =	sne.s32 s11, $0x7F;
	[tilespmem:s9+$0x1090] =	vst v0;
	s10 =	sadd.s32 $0x80, s10  }
0x59: {  	s13 =	sand.u32 $0x380, s10;
	s12 =	sshra.s32 s12, $0x2;
	[tilespmem:s9+$0x10A0] =	vst v0  }
0x5a: {  	[tilespmem:s9+$0x10B0] =	vst v0;
	s9 =	sor.u32 s13, s12  }
0x5b: {  	[tilespmem:s9+$0x10C0] =	vst v0  }
0x5c: {  	[tilespmem:s9+$0x10C9] =	vst v0  }
0x5d: {  	[tilespmem:s9+$0x80] =	vst v0  }
0x5e: {  	[tilespmem:s9+$0x90] =	vst v0  }
0x5f: {  	[tilespmem:s9+$0xA0] =	vst v0  }
0x60: {  	[tilespmem:s9+$0xB0] =	vst v0  }
0x61: {  	[tilespmem:s9+$0xC0] =	vst v0  }
0x62: {  	[tilespmem:s9+$0xD0] =	vst v0  }
0x63: {  	[tilespmem:s9+$0xE0] =	vst v0  }
0x64: {  	[tilespmem:s9+$0xF0] =	vst v0  }
0x65: {  	[tilespmem:s9+$0x480] =	vst v0  }
0x66: {  	[tilespmem:s9+$0x490] =	vst v0  }
0x67: {  	[tilespmem:s9+$0x4A0] =	vst v0  }
0x68: {  	[tilespmem:s9+$0x4B0] =	vst v0  }
0x69: {  	[tilespmem:s9+$0x4C0] =	vst v0  }
0x6a: {  	[tilespmem:s9+$0x4D0] =	vst v0  }
0x6b: {  	[tilespmem:s9+$0x4E0] =	vst v0  }
0x6c: {  	[tilespmem:s9+$0x4F0] =	vst v0  }
0x6d: {  	[tilespmem:s9+$0x880] =	vst v0  }
0x6e: {  	[tilespmem:s9+$0x890] =	vst v0  }
0x6f: {  	[tilespmem:s9+$0x8A0] =	vst v0  }
0x70: {  	[tilespmem:s9+$0x8B0] =	vst v0  }
0x71: {  	[tilespmem:s9+$0x8C0] =	vst v0  }
0x72: {  	[tilespmem:s9+$0x8D0] =	vst v0  }
0x73: {  	[tilespmem:s9+$0x8E0] =	vst v0  }
0x74: {  	[tilespmem:s9+$0x8F0] =	vst v0  }
0x75: {  	[tilespmem:s9+$0xC80] =	vst v0  }
0x76: {  	[tilespmem:s9+$0xC90] =	vst v0  }
0x77: {  	[tilespmem:s9+$0xCA0] =	vst v0  }
0x78: {  	[tilespmem:s9+$0xCB0] =	vst v0  }
.Ltmp0:
0x79: {  	[tilespmem:s9+$0xCC0] =	vst v0;
	(pc) =	sbr.rel @p0 .LBB2_2-.Ltmp0, $4  }
0x7a: {  	[tilespmem:s9+$0xCD0] =	vst v0  }
0x7b: {  	[tilespmem:s9+$0xCE0] =	vst v0  }
0x7c: {  	s12 =	sshrl.u32 s11, $0x3;
	[tilespmem:s9+$0xCF0] =	vst v0  }
0x7d: {  	s11 =	sadd.s32 $0x1, s11;
	s12 =	smul.u32 $0x5000, s12;
	[tilespmem:s9+$0x1080] =	vst v0  }
0x7e: {  	[tilespmem:s9+$0x1090] =	vst v0;
	s10 =	sadd.s32 $0x80, s10  }
0x7f: {  	[tilespmem:s9+$0x10A0] =	vst v0;
	s10 =	sand.u32 $0x380, s10;
	s11 =	sshra.s32 s12, $0x2  }
0x80: {  	[tilespmem:s9+$0x10B0] =	vst v0;
	s10 =	sor.u32 s10, s11  }
0x81: {  	[tilespmem:s10+$0x10C0] =	vst v0  }
0x82: {  	[tilespmem:s10+$0x80] =	vst v0  }
0x83: {  	[tilespmem:s10+$0x90] =	vst v0  }
0x84: {  	[tilespmem:s10+$0xA0] =	vst v0  }
0x85: {  	[tilespmem:s10+$0xB0] =	vst v0  }
0x86: {  	[tilespmem:s10+$0xC0] =	vst v0  }
0x87: {  	[tilespmem:s10+$0xD0] =	vst v0  }
0x88: {  	[tilespmem:s10+$0xE0] =	vst v0  }
0x89: {  	[tilespmem:s10+$0xF0] =	vst v0  }
0x8a: {  	[tilespmem:s10+$0x480] =	vst v0  }
0x8b: {  	[tilespmem:s10+$0x490] =	vst v0  }
0x8c: {  	[tilespmem:s10+$0x4A0] =	vst v0  }
0x8d: {  	[tilespmem:s10+$0x4B0] =	vst v0  }
0x8e: {  	[tilespmem:s10+$0x4C0] =	vst v0  }
0x8f: {  	[tilespmem:s10+$0x4D0] =	vst v0  }
0x90: {  	[tilespmem:s10+$0x4E0] =	vst v0  }
0x91: {  	[tilespmem:s10+$0x4F0] =	vst v0  }
0x92: {  	[tilespmem:s10+$0x880] =	vst v0  }
0x93: {  	[tilespmem:s10+$0x890] =	vst v0  }
0x94: {  	[tilespmem:s10+$0x8A0] =	vst v0  }
0x95: {  	[tilespmem:s10+$0x8B0] =	vst v0  }
0x96: {  	[tilespmem:s10+$0x8C0] =	vst v0  }
0x97: {  	[tilespmem:s10+$0x8D0] =	vst v0  }
0x98: {  	[tilespmem:s10+$0x8E0] =	vst v0  }
0x99: {  	[tilespmem:s10+$0x8F0] =	vst v0  }
0x9a: {  	[tilespmem:s10+$0xC80] =	vst v0  }
0x9b: {  	[tilespmem:s10+$0xC90] =	vst v0  }
0x9c: {  	[tilespmem:s10+$0xCA0] =	vst v0  }
0x9d: {  	[tilespmem:s10+$0xCB0] =	vst v0  }
0x9e: {  	[tilespmem:s10+$0xCC0] =	vst v0  }
0x9f: {  	[tilespmem:s10+$0xCD0] =	vst v0  }
0xa0: {  	[tilespmem:s10+$0xCE0] =	vst v0  }
0xa1: {  	[tilespmem:s10+$0xCF0] =	vst v0  }
0xa2: {  	[tilespmem:s10+$0x1080] =	vst v0  }
0xa3: {  	[tilespmem:s10+$0x1090] =	vst v0  }
0xa4: {  	[tilespmem:s10+$0x10A0] =	vst v0  }
0xa5: {  	[tilespmem:s10+$0x10B0] =	vst v0  }
0xa6: {  	s9 =	simm.s32 $0x0;
	[tilespmem:s10+$0x10C9] =	vst v0;
	s10 =	smov.u32 s4  }
.LBB2_4:
0xa7: {  	s11 =	sadd.s32 s9, s5  }
0xa8: {  	[tilespmem:s2], [sflag:$0x1] =	stream.linear.gather [hbm4b:s11+s2], $0x80, $0x38;
	[tilespmem:$0x14080] =	vst v63  }
0xa9: {  	_ =	swait.ge [sflag:s6], $0x80  }
0xaa: {  	[sflag:s6] =	ssyncset.done $0x0  }
0xab: {  	[sflag:s6] =	ssyncadd.s32 $0xFFFFFF80  }
0xac: {  	v9 =	vld [tilespmem:$0x0];
	_ =	sdelay $0x4  }
0xad: {  	v10 =	vadd.f32 $3.000000000e+02, v9;
	_ =	sdelay $0x1  }
0xae: {  	v9 =	vtrunc.f32 v10  }
0xaf: {  	v9 =	vcvt.f32.s32 v9;
	_ =	sdelay $0x1  }
0xb0: {  	vm0 =	vgt.s32 v9, $0x0  }
0xb1: {  	v9 =	vnsel vm0, $0x0, v9  }
0xb2: {  	v11 =	vmin.u32 v9, $0x258;
	v9 =	vmin.u32 v9, $0x257  }
0xb3: {  	v12 =	vcvt.s32.f32 v11;
	v9 =	vadd.s32 $0x1, v9;
	v13 =	vshll.u32 v11, $0x3  }
0xb4: {  	v11 =	vand.u32 $0x7F, v11;
	v13 =	vand.u32 $0x1C00, v13;
	v14 =	vshll.u32 v9, $0x3  }
0xb5: {  	v28 =	vand.u32 $0x7F, v9;
	v11 =	vor.u32 v11, v13;
	v14 =	vand.u32 $0x3C00, v14  }
0xb6: {  	v9 =	vadd.s32 v1, v11;
	v11 =	vor.u32 v28, v14  }
0xb7: {  	v12 =	vsub.f32 v10, v12;
	v10 =	vadd.s32 v1, v11;
	_ =	sdelay $0x1  }
0xb8: {  	v11 =	vsub.f32 $1.000000000e+00, v12;
	_ =	sdelay $0x1  }
0xb9: {  	[tilespmem:v9+s7+$0x0] =	vst.idx.msk $0xffff, v11  }
0xba: {  	[tilespmem:v10+s7+$0x0] =	vst.idx.add.f32.msk $0xffff, v12  }
0xbb: {  	v11 =	vld [tilespmem:$0x10];
	_ =	sdelay $0x4  }
0xbc: {  	v29 =	vadd.f32 $3.000000000e+02, v11;
	_ =	sdelay $0x1  }
0xbd: {  	v11 =	vtrunc.f32 v29  }
0xbe: {  	v11 =	vcvt.f32.s32 v11;
	_ =	sdelay $0x1  }
0xbf: {  	vm9 =	vgt.s32 v11, $0x0  }
0xc0: {  	v11 =	vnsel vm9, $0x0, v11  }
0xc1: {  	v30 =	vmin.u32 v11, $0x258;
	v11 =	vmin.u32 v11, $0x257  }
0xc2: {  	v31 =	vcvt.s32.f32 v30;
	v11 =	vadd.s32 $0x1, v11;
	v15 =	vshll.u32 v30, $0x3  }
0xc3: {  	v13 =	vand.u32 $0x7F, v30;
	v15 =	vand.u32 $0x1C00, v15;
	v16 =	vshll.u32 v11, $0x3  }
0xc4: {  	v32 =	vand.u32 $0x7F, v11;
	v13 =	vor.u32 v13, v15;
	v16 =	vand.u32 $0x3C00, v16  }
0xc5: {  	v11 =	vadd.s32 v2, v13;
	v33 =	vor.u32 v32, v16  }
0xc6: {  	v14 =	vsub.f32 v29, v31;
	v34 =	vadd.s32 v2, v33;
	_ =	sdelay $0x1  }
0xc7: {  	v35 =	vsub.f32 $1.000000000e+00, v14;
	_ =	sdelay $0x1  }
0xc8: {  	[tilespmem:v11+s7+$0x0] =	vst.idx.msk $0xffff, v35  }
0xc9: {  	[tilespmem:v34+s7+$0x0] =	vst.idx.add.f32.msk $0xffff, v14  }
0xca: {  	v13 =	vld [tilespmem:$0x20];
	_ =	sdelay $0x4  }
0xcb: {  	v36 =	vadd.f32 $3.000000000e+02, v13;
	_ =	sdelay $0x1  }
0xcc: {  	v13 =	vtrunc.f32 v36  }
0xcd: {  	v13 =	vcvt.f32.s32 v13;
	_ =	sdelay $0x1  }
0xce: {  	vm10 =	vgt.s32 v13, $0x0  }
0xcf: {  	v13 =	vnsel vm10, $0x0, v13  }
0xd0: {  	v37 =	vmin.u32 v13, $0x258;
	v13 =	vmin.u32 v13, $0x257  }
0xd1: {  	v38 =	vcvt.s32.f32 v37;
	v13 =	vadd.s32 $0x1, v13;
	v17 =	vshll.u32 v37, $0x3  }
0xd2: {  	v15 =	vand.u32 $0x7F, v37;
	v17 =	vand.u32 $0x1C00, v17;
	v18 =	vshll.u32 v13, $0x3  }
0xd3: {  	v39 =	vand.u32 $0x7F, v13;
	v15 =	vor.u32 v15, v17;
	v18 =	vand.u32 $0x3C00, v18  }
0xd4: {  	v40 =	vadd.s32 v3, v15;
	v41 =	vor.u32 v39, v18  }
0xd5: {  	v16 =	vsub.f32 v36, v38;
	v42 =	vadd.s32 v3, v41;
	_ =	sdelay $0x1  }
0xd6: {  	v43 =	vsub.f32 $1.000000000e+00, v16;
	_ =	sdelay $0x1  }
0xd7: {  	[tilespmem:v40+s7+$0x0] =	vst.idx.msk $0xffff, v43  }
0xd8: {  	[tilespmem:v42+s7+$0x0] =	vst.idx.add.f32.msk $0xffff, v16  }
0xd9: {  	v15 =	vld [tilespmem:$0x30];
	_ =	sdelay $0x4  }
0xda: {  	v15 =	vadd.f32 $3.000000000e+02, v15;
	_ =	sdelay $0x1  }
0xdb: {  	v44 =	vtrunc.f32 v15  }
0xdc: {  	v16 =	vcvt.f32.s32 v44;
	_ =	sdelay $0x1  }
0xdd: {  	vm11 =	vgt.s32 v16, $0x0  }
0xde: {  	v16 =	vnsel vm11, $0x0, v16  }
0xdf: {  	v45 =	vmin.u32 v16, $0x258;
	v16 =	vmin.u32 v16, $0x257  }
0xe0: {  	v46 =	vcvt.s32.f32 v45;
	v16 =	vadd.s32 $0x1, v16;
	v19 =	vshll.u32 v45, $0x3  }
0xe1: {  	v17 =	vand.u32 $0x7F, v45;
	v19 =	vand.u32 $0x1C00, v19;
	v20 =	vshll.u32 v16, $0x3  }
0xe2: {  	v16 =	vand.u32 $0x7F, v16;
	v17 =	vor.u32 v17, v19;
	v47 =	vand.u32 $0x3C00, v20  }
0xe3: {  	v17 =	vadd.s32 v4, v17;
	v16 =	vor.u32 v16, v47  }
0xe4: {  	v15 =	vsub.f32 v15, v46;
	v16 =	vadd.s32 v4, v16;
	_ =	sdelay $0x1  }
0xe5: {  	v18 =	vsub.f32 $1.000000000e+00, v15;
	_ =	sdelay $0x1  }
0xe6: {  	[tilespmem:v17+s7+$0x0] =	vst.idx.msk $0xffff, v18  }
0xe7: {  	[tilespmem:v16+s7+$0x0] =	vst.idx.add.f32.msk $0xffff, v15  }
0xe8: {  	v15 =	vld [tilespmem:$0x40];
	_ =	sdelay $0x4  }
0xe9: {  	v15 =	vadd.f32 $3.000000000e+02, v15;
	_ =	sdelay $0x1  }
0xea: {  	v48 =	vtrunc.f32 v15  }
0xeb: {  	v18 =	vcvt.f32.s32 v48;
	_ =	sdelay $0x1  }
0xec: {  	vm12 =	vgt.s32 v18, $0x0  }
0xed: {  	v18 =	vnsel vm12, $0x0, v18  }
0xee: {  	v49 =	vmin.u32 v18, $0x258;
	v18 =	vmin.u32 v18, $0x257  }
0xef: {  	v50 =	vcvt.s32.f32 v49;
	v18 =	vadd.s32 $0x1, v18;
	v21 =	vshll.u32 v49, $0x3  }
0xf0: {  	v19 =	vand.u32 $0x7F, v49;
	v21 =	vand.u32 $0x1C00, v21;
	v22 =	vshll.u32 v18, $0x3  }
0xf1: {  	v18 =	vand.u32 $0x7F, v18;
	v19 =	vor.u32 v19, v21;
	v51 =	vand.u32 $0x3C00, v22  }
0xf2: {  	v19 =	vadd.s32 v5, v19;
	v18 =	vor.u32 v18, v51  }
0xf3: {  	v15 =	vsub.f32 v15, v50;
	v18 =	vadd.s32 v5, v18;
	_ =	sdelay $0x1  }
0xf4: {  	v20 =	vsub.f32 $1.000000000e+00, v15;
	_ =	sdelay $0x1  }
0xf5: {  	[tilespmem:v19+s7+$0x0] =	vst.idx.msk $0xffff, v20  }
0xf6: {  	[tilespmem:v18+s7+$0x0] =	vst.idx.add.f32.msk $0xffff, v15  }
0xf7: {  	v15 =	vld [tilespmem:$0x50];
	_ =	sdelay $0x4  }
0xf8: {  	v15 =	vadd.f32 $3.000000000e+02, v15;
	_ =	sdelay $0x1  }
0xf9: {  	v52 =	vtrunc.f32 v15  }
0xfa: {  	v20 =	vcvt.f32.s32 v52;
	_ =	sdelay $0x1  }
0xfb: {  	vm13 =	vgt.s32 v20, $0x0  }
0xfc: {  	v20 =	vnsel vm13, $0x0, v20  }
0xfd: {  	v53 =	vmin.u32 v20, $0x258;
	v20 =	vmin.u32 v20, $0x257  }
0xfe: {  	v54 =	vcvt.s32.f32 v53;
	v20 =	vadd.s32 $0x1, v20;
	v23 =	vshll.u32 v53, $0x3  }
0xff: {  	v21 =	vand.u32 $0x7F, v53;
	v23 =	vand.u32 $0x1C00, v23;
	v24 =	vshll.u32 v20, $0x3  }
0x100: {  	v20 =	vand.u32 $0x7F, v20;
	v21 =	vor.u32 v21, v23;
	v55 =	vand.u32 $0x3C00, v24  }
0x101: {  	v21 =	vadd.s32 v6, v21;
	v20 =	vor.u32 v20, v55  }
0x102: {  	v15 =	vsub.f32 v15, v54;
	v20 =	vadd.s32 v6, v20;
	_ =	sdelay $0x1  }
0x103: {  	v22 =	vsub.f32 $1.000000000e+00, v15;
	_ =	sdelay $0x1  }
0x104: {  	[tilespmem:v21+s7+$0x0] =	vst.idx.msk $0xffff, v22  }
0x105: {  	[tilespmem:v20+s7+$0x0] =	vst.idx.add.f32.msk $0xffff, v15  }
0x106: {  	v15 =	vld [tilespmem:$0x60];
	_ =	sdelay $0x4  }
0x107: {  	v15 =	vadd.f32 $3.000000000e+02, v15;
	_ =	sdelay $0x1  }
0x108: {  	v56 =	vtrunc.f32 v15  }
0x109: {  	v22 =	vcvt.f32.s32 v56;
	_ =	sdelay $0x1  }
0x10a: {  	vm14 =	vgt.s32 v22, $0x0  }
0x10b: {  	v22 =	vnsel vm14, $0x0, v22  }
0x10c: {  	v57 =	vmin.u32 v22, $0x258;
	v22 =	vmin.u32 v22, $0x257  }
0x10d: {  	v58 =	vcvt.s32.f32 v57;
	v22 =	vadd.s32 $0x1, v22;
	v25 =	vshll.u32 v57, $0x3  }
0x10e: {  	v23 =	vand.u32 $0x7F, v57;
	v25 =	vand.u32 $0x1C00, v25;
	v26 =	vshll.u32 v22, $0x3  }
0x10f: {  	v22 =	vand.u32 $0x7F, v22;
	v23 =	vor.u32 v23, v25;
	v59 =	vand.u32 $0x3C00, v26  }
0x110: {  	v23 =	vadd.s32 v7, v23;
	v22 =	vor.u32 v22, v59  }
0x111: {  	v15 =	vsub.f32 v15, v58;
	v22 =	vadd.s32 v7, v22;
	_ =	sdelay $0x1  }
0x112: {  	v24 =	vsub.f32 $1.000000000e+00, v15;
	_ =	sdelay $0x1  }
0x113: {  	[tilespmem:v23+s7+$0x0] =	vst.idx.msk $0xffff, v24  }
0x114: {  	[tilespmem:v22+s7+$0x0] =	vst.idx.add.f32.msk $0xffff, v15  }
0x115: {  	v15 =	vld [tilespmem:$0x70];
	_ =	sdelay $0x4  }
0x116: {  	v15 =	vadd.f32 $3.000000000e+02, v15;
	_ =	sdelay $0x1  }
0x117: {  	v60 =	vtrunc.f32 v15  }
0x118: {  	v24 =	vcvt.f32.s32 v60;
	_ =	sdelay $0x1  }
0x119: {  	vm15 =	vgt.s32 v24, $0x0  }
0x11a: {  	v24 =	vnsel vm15, $0x0, v24  }
0x11b: {  	v61 =	vmin.u32 v24, $0x258;
	v24 =	vmin.u32 v24, $0x257  }
0x11c: {  	v62 =	vshll.u32 v61, $0x3;
	v24 =	vadd.s32 $0x1, v24;
	v27 =	vand.u32 $0x7F, v61  }
0x11d: {  	v25 =	vcvt.s32.f32 v61;
	v26 =	vand.u32 $0x1C00, v62;
	v63 =	vshll.u32 v24, $0x3  }
0x11e: {  	v24 =	vand.u32 $0x7F, v24;
	v26 =	vor.u32 v27, v26;
	v27 =	vand.u32 $0x3C00, v63  }
0x11f: {  	v26 =	vadd.s32 v8, v26;
	v24 =	vor.u32 v24, v27  }
0x120: {  	v15 =	vsub.f32 v15, v25;
	v24 =	vadd.s32 v8, v24;
	_ =	sdelay $0x1  }
0x121: {  	v25 =	vsub.f32 $1.000000000e+00, v15;
	_ =	sdelay $0x1  }
0x122: {  	[tilespmem:v26+s7+$0x0] =	vst.idx.msk $0xffff, v25  }
0x123: {  	[tilespmem:v24+s7+$0x0] =	vst.idx.add.f32.msk $0xffff, v15  }
0x124: {  	[hbm4b:s10+s2] =	stream.linear.scatter [tilespmem:s7], [sflag:$0x1], $0x14000, $0x38;
	[tilespmem:$0x14080] =	vst v63  }
0x125: {  	_ =	swait.ge [sflag:s6], $0x14000  }
0x126: {  	[sflag:s6] =	ssyncset.done $0x0  }
0x127: {  	[sflag:s6] =	ssyncadd.s32 $0xFFFEC000  }
0x128: {  	[tilespmem:v9+s7+$0x0] =	vst.idx.msk $0xffff, v0  }
0x129: {  	[tilespmem:v10+s7+$0x0] =	vst.idx.msk $0xffff, v0  }
0x12a: {  	[tilespmem:v11+s7+$0x0] =	vst.idx.msk $0xffff, v0  }
0x12b: {  	[tilespmem:v34+s7+$0x0] =	vst.idx.msk $0xffff, v0  }
0x12c: {  	[tilespmem:v40+s7+$0x0] =	vst.idx.msk $0xffff, v0  }
0x12d: {  	[tilespmem:v42+s7+$0x0] =	vst.idx.msk $0xffff, v0  }
0x12e: {  	[tilespmem:v17+s7+$0x0] =	vst.idx.msk $0xffff, v0  }
0x12f: {  	[tilespmem:v16+s7+$0x0] =	vst.idx.msk $0xffff, v0  }
0x130: {  	[tilespmem:v19+s7+$0x0] =	vst.idx.msk $0xffff, v0  }
0x131: {  	[tilespmem:v18+s7+$0x0] =	vst.idx.msk $0xffff, v0  }
0x132: {  	p0 =	sne.s32 s9, $0x30;
	[tilespmem:v21+s7+$0x0] =	vst.idx.msk $0xffff, v0  }
.Ltmp1:
0x133: {  	[tilespmem:v20+s7+$0x0] =	vst.idx.msk $0xffff, v0;
	(pc) =	sbr.rel @p0 .LBB2_4-.Ltmp1, $4  }
0x134: {  	[tilespmem:v23+s7+$0x0] =	vst.idx.msk $0xffff, v0  }
0x135: {  	[tilespmem:v22+s7+$0x0] =	vst.idx.msk $0xffff, v0  }
0x136: {  	[tilespmem:v26+s7+$0x0] =	vst.idx.msk $0xffff, v0  }
0x137: {  	s9 =	sadd.s32 $0x10, s9;
	s10 =	sadd.s32 $0x2800, s10;
	[tilespmem:v24+s7+$0x0] =	vst.idx.msk $0xffff, v0  }
0x138: {  	s8 =	sadd.s32 $0x1, s8  }
0x139: {  	p0 =	sne.s32 s8, s3  }
.Ltmp2:
0x13a: {  	_ = 	snop;
	(pc) =	sbr.rel @p0 .LBB2_1-.Ltmp2, $1  }
0x13b: {  	_ =	sdelay $0x3  }
0x13c: {  	_ =	sfence.sel $0x180000  }
0x13d: {  	[bflag:$0x0] =	sbarrier.arrive $0xFFFF  }
0x13e: {  	p0 =	sne.s32 s1, $0x0;
	_ =	strace $0x90000047  }
0x13f: {  	s0 =	sadd.s32 @!p0 $0x100000, s0;
	[bflag:$0x2] =	sbarrier.arrive $0xFFFF  }
0x140: {  	[sflag:s0] =	ssyncadd.tile.s32 @!p0 $0x1;
	_ =	shalt  }
.Lfunc_end2:
_tile_overlayer_lowered:
.L_overlay_start_2:
0x141: {  	(tag) =	ssettag $0x2  }
0x142: {  	s0 =	rddreg [dreg:$0x0];
	s2 =	stileid.u32  }
0x143: {  	s1 =	rddreg [dreg:$0x1];
	p0 =	sne.s32 s2, $0x0  }
0x144: {  	s3 =	rddreg [dreg:$0x2];
	[bflag:$0x3] =	sbarrier.arrive $0xFFFF;
	s2 =	simm.s32 @!p0 $0x1C01  }
0x145: {  	[timem:s3], [sflag:s2] =	dma.local @!p0 [hbm:s0], s1  }
0x146: {  	s0 =	simm.s32 @!p0 $0x1  }
0x147: {  	_ =	swait.ge @!p0 [sflag:s0], s1  }
0x148: {  	s1 =	ssub.s32 @!p0 $0x0, s1;
	[sflag:s0] =	ssyncset.done @!p0 $0x0  }
0x149: {  	[sflag:s0] =	ssyncadd.s32 @!p0 s1  }
0x14a: {  	[bflag:$0x3] =	sbarrier.arrive $0xFFFF  }
0x14b: {  	_ =	shalt  }

</sc_bundles>
